<compile_context>
chip_gen: v7x
topology: tpu7x:2x2x1
jax: 0.10.2.dev20260603
libtpu: 0.0.44.dev20260713+nightly
codegen_flags: <defaults>
</compile_context>

<pallas_src>
import functools

import jax
import jax.numpy as jnp
from jax import lax
from jax.experimental import pallas as pl
from jax.experimental.pallas import tpu as pltpu
from jax.experimental.pallas import tpu_sc as plsc


@functools.lru_cache(maxsize=None)
def _build_gather(B: int, T: int, TQ: int, D: int):
    info = plsc.get_sparse_core_info()
    NW = info.num_cores * info.num_subcores
    b_per_w = B // NW
    CH = min(16, b_per_w)
    n_ch = b_per_w // CH
    NB = min(3, n_ch)
    mesh = plsc.VectorSubcoreMesh(core_axis_name="c", subcore_axis_name="s")

    @functools.partial(
        pl.kernel,
        mesh=mesh,
        out_type=jax.ShapeDtypeStruct((B, TQ, D), jnp.float32),
        scratch_types=[
            pltpu.VMEM((b_per_w,), jnp.int32),
            pltpu.VMEM((NB, CH, TQ, D), jnp.float32),
            pltpu.VMEM_SHARED((T, TQ, D), jnp.float32),
            pltpu.SemaphoreType.DMA,
            pltpu.SemaphoreType.DMA,
        ],
    )
    def gather_kernel(table_hbm, idx_hbm, out_hbm, idx_v, rows_v, table_sh, gsem, ssem):
        sid = lax.axis_index("s")
        wid = sid * info.num_cores + lax.axis_index("c")
        base = wid * b_per_w
        @pl.when(sid == 0)
        def _stage():
            pltpu.sync_copy(table_hbm, table_sh)

        pltpu.sync_copy(idx_hbm.at[pl.ds(base, b_per_w)], idx_v)
        plsc.subcore_barrier()

        def fire_gather(c):
            return pltpu.async_copy(
                table_sh.at[idx_v.at[pl.ds(c * CH, CH)]], rows_v.at[c % NB], gsem
            )

        gs = [fire_gather(c) for c in range(NB)]
        ss = [None] * n_ch
        for c in range(n_ch):
            gs[c].wait()
            ss[c] = pltpu.async_copy(
                rows_v.at[c % NB], out_hbm.at[pl.ds(base + c * CH, CH)], ssem
            )
            if c + NB < n_ch:
                ss[c].wait()
                gs.append(fire_gather(c + NB))
        for c in range(max(0, n_ch - NB), n_ch):
            if c + NB >= n_ch:
                ss[c].wait()

    return gather_kernel


def kernel(query_tokens, task_ids, batch_size):
    T, Tq, D = query_tokens.shape
    B = task_ids.shape[0]
    idx = task_ids.astype(jnp.int32)
    return _build_gather(B, T, Tq, D)(query_tokens, idx)

# --- scband reference (transcript-rebuilt; emitter-appended) ---
"""Pipeline reference for scband-learnable-query-tokens-73890617360592 (READ-ONLY COPY).

The authoritative reference and input builder live on the scoring server;
editing this copy changes nothing except your own understanding.
"""

import jax, jax.numpy as jnp
import numpy as np

NUM_TASKS = 100
NUM_QUERY_TOKENS = 16
DIM = 128
BATCH = 4096
INIT_STD = 0.02


def setup_inputs(seed: int = 0) -> dict:
    key = jax.random.key(seed)
    k1, k2 = jax.random.split(key)
    query_tokens = jax.random.normal(k1, (NUM_TASKS, NUM_QUERY_TOKENS, DIM), dtype=jnp.float32) * INIT_STD
    task_ids = jax.random.randint(k2, (BATCH,), 0, NUM_TASKS, dtype=jnp.int64 if jax.config.jax_enable_x64 else jnp.int32)
    return {"query_tokens": query_tokens, "task_ids": task_ids, "batch_size": BATCH}


def reference(query_tokens, task_ids, batch_size):
    # Task-indexed learnable query tokens: gather one (Tq, D) bank per sample.
    # Equivalent to torch index_select(dim=0, index=task_ids).
    out = jnp.take(query_tokens, task_ids, axis=0)  # (B, Tq, D)
    return out

if __name__ == "__main__":
    import jax
    _d = setup_inputs()
    print(jax.jit(kernel)(*tuple(_d.values())))

</pallas_src>

<mosaic_0001>
#map = affine_map<(d0, d1) -> (0, 0, 0)>
#map1 = affine_map<(d0, d1) -> (0)>
module attributes {stable_mosaic.version = 14 : i64} {
  func.func @gather_kernel(%arg0: i32, %arg1: i32, %arg2: memref<100x16x128xf32, #tpu.memory_space<hbm>>, %arg3: memref<4096xi32, #tpu.memory_space<hbm>>, %arg4: memref<4096x16x128xf32, #tpu.memory_space<hbm>>, %arg5: memref<128xi32, #tpu.memory_space<vmem>>, %arg6: memref<3x16x16x128xf32, #tpu.memory_space<vmem>>, %arg7: memref<100x16x128xf32, #tpu.memory_space<vmem_shared>>, %arg8: memref<!tpu.dma_semaphore, #tpu.memory_space<semaphore_mem>>, %arg9: memref<!tpu.dma_semaphore, #tpu.memory_space<semaphore_mem>>) attributes {dimension_semantics = [#tpu.dimension_semantics<core_parallel>, #tpu.dimension_semantics<subcore_parallel>], iteration_bounds = array<i64: 2, 16>, scalar_prefetch = 0 : i64, scratch_operands = 5 : i64, tpu.core_type = #tpu.core_type<sc_vector_subcore>, window_params = [{transform_indices = #map}, {transform_indices = #map1}, {transform_indices = #map}]} {
    %mul3A = arith.constant 2 : i32
    %mul3A_0 = arith.muli %arg1, %mul3A : i32
    %add3A = arith.addi %mul3A_0, %arg0 : i32
    %mul3A_1 = arith.constant 128 : i32
    %mul3A_2 = arith.muli %add3A, %mul3A_1 : i32
    %eq3A = arith.constant 0 : i32
    %eq3A_3 = arith.cmpi eq, %arg1, %eq3A : i32
    %convert_element_type3A = arith.extui %eq3A_3 : i1 to i32
    %cond3A = arith.constant 0 : i32
    %cond3A_4 = arith.cmpi ne, %convert_element_type3A, %cond3A : i32
    scf.if %cond3A_4 {
      "tpu.region"() ({
        %run_scoped3A = tpu.sem_alloc : memref<!tpu.dma_semaphore, #tpu.memory_space<semaphore_mem>>
        tpu.enqueue_dma source(%arg2 : memref<100x16x128xf32, #tpu.memory_space<hbm>>) target(%arg7 : memref<100x16x128xf32, #tpu.memory_space<vmem_shared>>) target_semaphore(%run_scoped3A : memref<!tpu.dma_semaphore, #tpu.memory_space<semaphore_mem>>)
        tpu.wait_dma2 semaphore(%run_scoped3A : memref<!tpu.dma_semaphore, #tpu.memory_space<semaphore_mem>>) src(%arg2 : memref<100x16x128xf32, #tpu.memory_space<hbm>>) dst(%arg7 : memref<100x16x128xf32, #tpu.memory_space<vmem_shared>>)
        tpu.yield
      }) : () -> ()
    } else {
    }
    "tpu.region"() ({
      %run_scoped3A = tpu.sem_alloc : memref<!tpu.dma_semaphore, #tpu.memory_space<semaphore_mem>>
      %dma_start3A_483 = tpu.memref_slice %arg3[%mul3A_2] : memref<4096xi32, #tpu.memory_space<hbm>> -> memref<128xi32, #tpu.memory_space<hbm>>
      %dma_start3A_484 = tpu.memref_slice %arg3[%mul3A_2] : memref<4096xi32, #tpu.memory_space<hbm>> -> memref<128xi32, #tpu.memory_space<hbm>>
      tpu.enqueue_dma source(%dma_start3A_484 : memref<128xi32, #tpu.memory_space<hbm>>) target(%arg5 : memref<128xi32, #tpu.memory_space<vmem>>) target_semaphore(%run_scoped3A : memref<!tpu.dma_semaphore, #tpu.memory_space<semaphore_mem>>)
      %dma_wait3A_485 = tpu.memref_slice %arg3[%mul3A_2] : memref<4096xi32, #tpu.memory_space<hbm>> -> memref<128xi32, #tpu.memory_space<hbm>>
      %dma_wait3A_486 = tpu.memref_slice %arg3[%mul3A_2] : memref<4096xi32, #tpu.memory_space<hbm>> -> memref<128xi32, #tpu.memory_space<hbm>>
      tpu.wait_dma2 semaphore(%run_scoped3A : memref<!tpu.dma_semaphore, #tpu.memory_space<semaphore_mem>>) src(%dma_wait3A_486 : memref<128xi32, #tpu.memory_space<hbm>>) dst(%arg5 : memref<128xi32, #tpu.memory_space<vmem>>)
      tpu.yield
    }) : () -> ()
    %barrier3A = arith.constant 0 : index
    tpu.barrier barrier_id(%barrier3A)
    %dma_start3A = arith.constant 0 : i32
    %dma_start3A_5 = arith.constant 0 : i32
    %dma_start3A_6 = arith.constant 0 : i32
    %dma_start3A_7 = arith.constant 0 : i32
    %dma_start3A_8 = tpu.memref_slice %arg6[%dma_start3A, %dma_start3A_5, %dma_start3A_6, %dma_start3A_7] : memref<3x16x16x128xf32, #tpu.memory_space<vmem>> -> memref<1x16x16x128xf32, #tpu.memory_space<vmem>>
    %dma_start3A_9 = tpu.memref_squeeze %dma_start3A_8 : memref<1x16x16x128xf32, #tpu.memory_space<vmem>> -> memref<16x16x128xf32, #tpu.memory_space<vmem>>
    %dma_start3A_10 = arith.constant 0 : i32
    %dma_start3A_11 = tpu.memref_slice %arg5[%dma_start3A_10] : memref<128xi32, #tpu.memory_space<vmem>> -> memref<16xi32, #tpu.memory_space<vmem>>
    %dma_start3A_12 = arith.constant 0 : i32
    %dma_start3A_13 = arith.constant 0 : i32
    %dma_start3A_14 = arith.constant 0 : i32
    %dma_start3A_15 = tpu.memref_slice %arg7[%dma_start3A_12, %dma_start3A_13, %dma_start3A_14] : memref<100x16x128xf32, #tpu.memory_space<vmem_shared>> -> memref<100x16x128xf32, #tpu.memory_space<vmem_shared>>
    tpu.enqueue_indirect_dma source(%dma_start3A_15 : memref<100x16x128xf32, #tpu.memory_space<vmem_shared>>) target(%dma_start3A_9 : memref<16x16x128xf32, #tpu.memory_space<vmem>>) offsets(%dma_start3A_11 : memref<16xi32, #tpu.memory_space<vmem>>) semaphore(%arg8 : memref<!tpu.dma_semaphore, #tpu.memory_space<semaphore_mem>>)
    %dma_start3A_16 = arith.constant 1 : i32
    %dma_start3A_17 = arith.constant 0 : i32
    %dma_start3A_18 = arith.constant 0 : i32
    %dma_start3A_19 = arith.constant 0 : i32
    %dma_start3A_20 = tpu.memref_slice %arg6[%dma_start3A_16, %dma_start3A_17, %dma_start3A_18, %dma_start3A_19] : memref<3x16x16x128xf32, #tpu.memory_space<vmem>> -> memref<1x16x16x128xf32, #tpu.memory_space<vmem>>
    %dma_start3A_21 = tpu.memref_squeeze %dma_start3A_20 : memref<1x16x16x128xf32, #tpu.memory_space<vmem>> -> memref<16x16x128xf32, #tpu.memory_space<vmem>>
    %dma_start3A_22 = arith.constant 16 : i32
    %dma_start3A_23 = tpu.memref_slice %arg5[%dma_start3A_22] : memref<128xi32, #tpu.memory_space<vmem>> -> memref<16xi32, #tpu.memory_space<vmem>>
    %dma_start3A_24 = arith.constant 0 : i32
    %dma_start3A_25 = arith.constant 0 : i32
    %dma_start3A_26 = arith.constant 0 : i32
    %dma_start3A_27 = tpu.memref_slice %arg7[%dma_start3A_24, %dma_start3A_25, %dma_start3A_26] : memref<100x16x128xf32, #tpu.memory_space<vmem_shared>> -> memref<100x16x128xf32, #tpu.memory_space<vmem_shared>>
    tpu.enqueue_indirect_dma source(%dma_start3A_27 : memref<100x16x128xf32, #tpu.memory_space<vmem_shared>>) target(%dma_start3A_21 : memref<16x16x128xf32, #tpu.memory_space<vmem>>) offsets(%dma_start3A_23 : memref<16xi32, #tpu.memory_space<vmem>>) semaphore(%arg8 : memref<!tpu.dma_semaphore, #tpu.memory_space<semaphore_mem>>)
    %dma_start3A_28 = arith.constant 2 : i32
    %dma_start3A_29 = arith.constant 0 : i32
    %dma_start3A_30 = arith.constant 0 : i32
    %dma_start3A_31 = arith.constant 0 : i32
    %dma_start3A_32 = tpu.memref_slice %arg6[%dma_start3A_28, %dma_start3A_29, %dma_start3A_30, %dma_start3A_31] : memref<3x16x16x128xf32, #tpu.memory_space<vmem>> -> memref<1x16x16x128xf32, #tpu.memory_space<vmem>>
    %dma_start3A_33 = tpu.memref_squeeze %dma_start3A_32 : memref<1x16x16x128xf32, #tpu.memory_space<vmem>> -> memref<16x16x128xf32, #tpu.memory_space<vmem>>
    %dma_start3A_34 = arith.constant 32 : i32
    %dma_start3A_35 = tpu.memref_slice %arg5[%dma_start3A_34] : memref<128xi32, #tpu.memory_space<vmem>> -> memref<16xi32, #tpu.memory_space<vmem>>
    %dma_start3A_36 = arith.constant 0 : i32
    %dma_start3A_37 = arith.constant 0 : i32
    %dma_start3A_38 = arith.constant 0 : i32
    %dma_start3A_39 = tpu.memref_slice %arg7[%dma_start3A_36, %dma_start3A_37, %dma_start3A_38] : memref<100x16x128xf32, #tpu.memory_space<vmem_shared>> -> memref<100x16x128xf32, #tpu.memory_space<vmem_shared>>
    tpu.enqueue_indirect_dma source(%dma_start3A_39 : memref<100x16x128xf32, #tpu.memory_space<vmem_shared>>) target(%dma_start3A_33 : memref<16x16x128xf32, #tpu.memory_space<vmem>>) offsets(%dma_start3A_35 : memref<16xi32, #tpu.memory_space<vmem>>) semaphore(%arg8 : memref<!tpu.dma_semaphore, #tpu.memory_space<semaphore_mem>>)
    %dma_wait3A = arith.constant 0 : i32
    %dma_wait3A_40 = arith.constant 0 : i32
    %dma_wait3A_41 = arith.constant 0 : i32
    %dma_wait3A_42 = arith.constant 0 : i32
    %dma_wait3A_43 = tpu.memref_slice %arg6[%dma_wait3A, %dma_wait3A_40, %dma_wait3A_41, %dma_wait3A_42] : memref<3x16x16x128xf32, #tpu.memory_space<vmem>> -> memref<1x16x16x128xf32, #tpu.memory_space<vmem>>
    %dma_wait3A_44 = tpu.memref_squeeze %dma_wait3A_43 : memref<1x16x16x128xf32, #tpu.memory_space<vmem>> -> memref<16x16x128xf32, #tpu.memory_space<vmem>>
    %dma_wait3A_45 = arith.constant 0 : i32
    %dma_wait3A_46 = tpu.memref_slice %arg5[%dma_wait3A_45] : memref<128xi32, #tpu.memory_space<vmem>> -> memref<16xi32, #tpu.memory_space<vmem>>
    %dma_wait3A_47 = arith.constant 0 : i32
    %dma_wait3A_48 = arith.constant 0 : i32
    %dma_wait3A_49 = arith.constant 0 : i32
    %dma_wait3A_50 = tpu.memref_slice %arg7[%dma_wait3A_47, %dma_wait3A_48, %dma_wait3A_49] : memref<100x16x128xf32, #tpu.memory_space<vmem_shared>> -> memref<100x16x128xf32, #tpu.memory_space<vmem_shared>>
    tpu.wait_indirect_dma semaphore(%arg8 : memref<!tpu.dma_semaphore, #tpu.memory_space<semaphore_mem>>) src(%dma_wait3A_50 : memref<100x16x128xf32, #tpu.memory_space<vmem_shared>>) dst(%dma_wait3A_44 : memref<16x16x128xf32, #tpu.memory_space<vmem>>)
    %add3A_51 = arith.constant 0 : i32
    %add3A_52 = arith.addi %mul3A_2, %add3A_51 : i32
    %dma_start3A_53 = arith.constant 0 : i32
    %dma_start3A_54 = arith.constant 0 : i32
    %dma_start3A_55 = arith.constant 0 : i32
    %dma_start3A_56 = arith.constant 0 : i32
    %dma_start3A_57 = tpu.memref_slice %arg6[%dma_start3A_53, %dma_start3A_54, %dma_start3A_55, %dma_start3A_56] : memref<3x16x16x128xf32, #tpu.memory_space<vmem>> -> memref<1x16x16x128xf32, #tpu.memory_space<vmem>>
    %dma_start3A_58 = tpu.memref_squeeze %dma_start3A_57 : memref<1x16x16x128xf32, #tpu.memory_space<vmem>> -> memref<16x16x128xf32, #tpu.memory_space<vmem>>
    %dma_start3A_59 = arith.constant 0 : i32
    %dma_start3A_60 = arith.constant 0 : i32
    %dma_start3A_61 = tpu.memref_slice %arg4[%add3A_52, %dma_start3A_59, %dma_start3A_60] : memref<4096x16x128xf32, #tpu.memory_space<hbm>> -> memref<16x16x128xf32, #tpu.memory_space<hbm>>
    %dma_start3A_62 = arith.constant 0 : i32
    %dma_start3A_63 = arith.constant 0 : i32
    %dma_start3A_64 = tpu.memref_slice %arg4[%add3A_52, %dma_start3A_62, %dma_start3A_63] : memref<4096x16x128xf32, #tpu.memory_space<hbm>> -> memref<16x16x128xf32, #tpu.memory_space<hbm>>
    %dma_start3A_65 = arith.constant 0 : i32
    %dma_start3A_66 = arith.constant 0 : i32
    %dma_start3A_67 = arith.constant 0 : i32
    %dma_start3A_68 = tpu.memref_slice %arg6[%dma_start3A_53, %dma_start3A_65, %dma_start3A_66, %dma_start3A_67] : memref<3x16x16x128xf32, #tpu.memory_space<vmem>> -> memref<1x16x16x128xf32, #tpu.memory_space<vmem>>
    %dma_start3A_69 = tpu.memref_squeeze %dma_start3A_68 : memref<1x16x16x128xf32, #tpu.memory_space<vmem>> -> memref<16x16x128xf32, #tpu.memory_space<vmem>>
    tpu.enqueue_dma source(%dma_start3A_69 : memref<16x16x128xf32, #tpu.memory_space<vmem>>) target(%dma_start3A_64 : memref<16x16x128xf32, #tpu.memory_space<hbm>>) target_semaphore(%arg9 : memref<!tpu.dma_semaphore, #tpu.memory_space<semaphore_mem>>)
    %dma_wait3A_70 = arith.constant 0 : i32
    %dma_wait3A_71 = arith.constant 0 : i32
    %dma_wait3A_72 = arith.constant 0 : i32
    %dma_wait3A_73 = arith.constant 0 : i32
    %dma_wait3A_74 = tpu.memref_slice %arg6[%dma_wait3A_70, %dma_wait3A_71, %dma_wait3A_72, %dma_wait3A_73] : memref<3x16x16x128xf32, #tpu.memory_space<vmem>> -> memref<1x16x16x128xf32, #tpu.memory_space<vmem>>
    %dma_wait3A_75 = tpu.memref_squeeze %dma_wait3A_74 : memref<1x16x16x128xf32, #tpu.memory_space<vmem>> -> memref<16x16x128xf32, #tpu.memory_space<vmem>>
    %dma_wait3A_76 = arith.constant 0 : i32
    %dma_wait3A_77 = arith.constant 0 : i32
    %dma_wait3A_78 = tpu.memref_slice %arg4[%add3A_52, %dma_wait3A_76, %dma_wait3A_77] : memref<4096x16x128xf32, #tpu.memory_space<hbm>> -> memref<16x16x128xf32, #tpu.memory_space<hbm>>
    %dma_wait3A_79 = arith.constant 0 : i32
    %dma_wait3A_80 = arith.constant 0 : i32
    %dma_wait3A_81 = tpu.memref_slice %arg4[%add3A_52, %dma_wait3A_79, %dma_wait3A_80] : memref<4096x16x128xf32, #tpu.memory_space<hbm>> -> memref<16x16x128xf32, #tpu.memory_space<hbm>>
    %dma_wait3A_82 = arith.constant 0 : i32
    %dma_wait3A_83 = arith.constant 0 : i32
    %dma_wait3A_84 = arith.constant 0 : i32
    %dma_wait3A_85 = tpu.memref_slice %arg6[%dma_wait3A_70, %dma_wait3A_82, %dma_wait3A_83, %dma_wait3A_84] : memref<3x16x16x128xf32, #tpu.memory_space<vmem>> -> memref<1x16x16x128xf32, #tpu.memory_space<vmem>>
    %dma_wait3A_86 = tpu.memref_squeeze %dma_wait3A_85 : memref<1x16x16x128xf32, #tpu.memory_space<vmem>> -> memref<16x16x128xf32, #tpu.memory_space<vmem>>
    tpu.wait_dma2 semaphore(%arg9 : memref<!tpu.dma_semaphore, #tpu.memory_space<semaphore_mem>>) src(%dma_wait3A_86 : memref<16x16x128xf32, #tpu.memory_space<vmem>>) dst(%dma_wait3A_81 : memref<16x16x128xf32, #tpu.memory_space<hbm>>)
    %dma_start3A_87 = arith.constant 0 : i32
    %dma_start3A_88 = arith.constant 0 : i32
    %dma_start3A_89 = arith.constant 0 : i32
    %dma_start3A_90 = arith.constant 0 : i32
    %dma_start3A_91 = tpu.memref_slice %arg6[%dma_start3A_87, %dma_start3A_88, %dma_start3A_89, %dma_start3A_90] : memref<3x16x16x128xf32, #tpu.memory_space<vmem>> -> memref<1x16x16x128xf32, #tpu.memory_space<vmem>>
    %dma_start3A_92 = tpu.memref_squeeze %dma_start3A_91 : memref<1x16x16x128xf32, #tpu.memory_space<vmem>> -> memref<16x16x128xf32, #tpu.memory_space<vmem>>
    %dma_start3A_93 = arith.constant 48 : i32
    %dma_start3A_94 = tpu.memref_slice %arg5[%dma_start3A_93] : memref<128xi32, #tpu.memory_space<vmem>> -> memref<16xi32, #tpu.memory_space<vmem>>
    %dma_start3A_95 = arith.constant 0 : i32
    %dma_start3A_96 = arith.constant 0 : i32
    %dma_start3A_97 = arith.constant 0 : i32
    %dma_start3A_98 = tpu.memref_slice %arg7[%dma_start3A_95, %dma_start3A_96, %dma_start3A_97] : memref<100x16x128xf32, #tpu.memory_space<vmem_shared>> -> memref<100x16x128xf32, #tpu.memory_space<vmem_shared>>
    tpu.enqueue_indirect_dma source(%dma_start3A_98 : memref<100x16x128xf32, #tpu.memory_space<vmem_shared>>) target(%dma_start3A_92 : memref<16x16x128xf32, #tpu.memory_space<vmem>>) offsets(%dma_start3A_94 : memref<16xi32, #tpu.memory_space<vmem>>) semaphore(%arg8 : memref<!tpu.dma_semaphore, #tpu.memory_space<semaphore_mem>>)
    %dma_wait3A_99 = arith.constant 1 : i32
    %dma_wait3A_100 = arith.constant 0 : i32
    %dma_wait3A_101 = arith.constant 0 : i32
    %dma_wait3A_102 = arith.constant 0 : i32
    %dma_wait3A_103 = tpu.memref_slice %arg6[%dma_wait3A_99, %dma_wait3A_100, %dma_wait3A_101, %dma_wait3A_102] : memref<3x16x16x128xf32, #tpu.memory_space<vmem>> -> memref<1x16x16x128xf32, #tpu.memory_space<vmem>>
    %dma_wait3A_104 = tpu.memref_squeeze %dma_wait3A_103 : memref<1x16x16x128xf32, #tpu.memory_space<vmem>> -> memref<16x16x128xf32, #tpu.memory_space<vmem>>
    %dma_wait3A_105 = arith.constant 16 : i32
    %dma_wait3A_106 = tpu.memref_slice %arg5[%dma_wait3A_105] : memref<128xi32, #tpu.memory_space<vmem>> -> memref<16xi32, #tpu.memory_space<vmem>>
    %dma_wait3A_107 = arith.constant 0 : i32
    %dma_wait3A_108 = arith.constant 0 : i32
    %dma_wait3A_109 = arith.constant 0 : i32
    %dma_wait3A_110 = tpu.memref_slice %arg7[%dma_wait3A_107, %dma_wait3A_108, %dma_wait3A_109] : memref<100x16x128xf32, #tpu.memory_space<vmem_shared>> -> memref<100x16x128xf32, #tpu.memory_space<vmem_shared>>
    tpu.wait_indirect_dma semaphore(%arg8 : memref<!tpu.dma_semaphore, #tpu.memory_space<semaphore_mem>>) src(%dma_wait3A_110 : memref<100x16x128xf32, #tpu.memory_space<vmem_shared>>) dst(%dma_wait3A_104 : memref<16x16x128xf32, #tpu.memory_space<vmem>>)
    %add3A_111 = arith.constant 16 : i32
    %add3A_112 = arith.addi %mul3A_2, %add3A_111 : i32
    %dma_start3A_113 = arith.constant 1 : i32
    %dma_start3A_114 = arith.constant 0 : i32
    %dma_start3A_115 = arith.constant 0 : i32
    %dma_start3A_116 = arith.constant 0 : i32
    %dma_start3A_117 = tpu.memref_slice %arg6[%dma_start3A_113, %dma_start3A_114, %dma_start3A_115, %dma_start3A_116] : memref<3x16x16x128xf32, #tpu.memory_space<vmem>> -> memref<1x16x16x128xf32, #tpu.memory_space<vmem>>
    %dma_start3A_118 = tpu.memref_squeeze %dma_start3A_117 : memref<1x16x16x128xf32, #tpu.memory_space<vmem>> -> memref<16x16x128xf32, #tpu.memory_space<vmem>>
    %dma_start3A_119 = arith.constant 0 : i32
    %dma_start3A_120 = arith.constant 0 : i32
    %dma_start3A_121 = tpu.memref_slice %arg4[%add3A_112, %dma_start3A_119, %dma_start3A_120] : memref<4096x16x128xf32, #tpu.memory_space<hbm>> -> memref<16x16x128xf32, #tpu.memory_space<hbm>>
    %dma_start3A_122 = arith.constant 0 : i32
    %dma_start3A_123 = arith.constant 0 : i32
    %dma_start3A_124 = tpu.memref_slice %arg4[%add3A_112, %dma_start3A_122, %dma_start3A_123] : memref<4096x16x128xf32, #tpu.memory_space<hbm>> -> memref<16x16x128xf32, #tpu.memory_space<hbm>>
    %dma_start3A_125 = arith.constant 0 : i32
    %dma_start3A_126 = arith.constant 0 : i32
    %dma_start3A_127 = arith.constant 0 : i32
    %dma_start3A_128 = tpu.memref_slice %arg6[%dma_start3A_113, %dma_start3A_125, %dma_start3A_126, %dma_start3A_127] : memref<3x16x16x128xf32, #tpu.memory_space<vmem>> -> memref<1x16x16x128xf32, #tpu.memory_space<vmem>>
    %dma_start3A_129 = tpu.memref_squeeze %dma_start3A_128 : memref<1x16x16x128xf32, #tpu.memory_space<vmem>> -> memref<16x16x128xf32, #tpu.memory_space<vmem>>
    tpu.enqueue_dma source(%dma_start3A_129 : memref<16x16x128xf32, #tpu.memory_space<vmem>>) target(%dma_start3A_124 : memref<16x16x128xf32, #tpu.memory_space<hbm>>) target_semaphore(%arg9 : memref<!tpu.dma_semaphore, #tpu.memory_space<semaphore_mem>>)
    %dma_wait3A_130 = arith.constant 1 : i32
    %dma_wait3A_131 = arith.constant 0 : i32
    %dma_wait3A_132 = arith.constant 0 : i32
    %dma_wait3A_133 = arith.constant 0 : i32
    %dma_wait3A_134 = tpu.memref_slice %arg6[%dma_wait3A_130, %dma_wait3A_131, %dma_wait3A_132, %dma_wait3A_133] : memref<3x16x16x128xf32, #tpu.memory_space<vmem>> -> memref<1x16x16x128xf32, #tpu.memory_space<vmem>>
    %dma_wait3A_135 = tpu.memref_squeeze %dma_wait3A_134 : memref<1x16x16x128xf32, #tpu.memory_space<vmem>> -> memref<16x16x128xf32, #tpu.memory_space<vmem>>
    %dma_wait3A_136 = arith.constant 0 : i32
    %dma_wait3A_137 = arith.constant 0 : i32
    %dma_wait3A_138 = tpu.memref_slice %arg4[%add3A_112, %dma_wait3A_136, %dma_wait3A_137] : memref<4096x16x128xf32, #tpu.memory_space<hbm>> -> memref<16x16x128xf32, #tpu.memory_space<hbm>>
    %dma_wait3A_139 = arith.constant 0 : i32
    %dma_wait3A_140 = arith.constant 0 : i32
    %dma_wait3A_141 = tpu.memref_slice %arg4[%add3A_112, %dma_wait3A_139, %dma_wait3A_140] : memref<4096x16x128xf32, #tpu.memory_space<hbm>> -> memref<16x16x128xf32, #tpu.memory_space<hbm>>
    %dma_wait3A_142 = arith.constant 0 : i32
    %dma_wait3A_143 = arith.constant 0 : i32
    %dma_wait3A_144 = arith.constant 0 : i32
    %dma_wait3A_145 = tpu.memref_slice %arg6[%dma_wait3A_130, %dma_wait3A_142, %dma_wait3A_143, %dma_wait3A_144] : memref<3x16x16x128xf32, #tpu.memory_space<vmem>> -> memref<1x16x16x128xf32, #tpu.memory_space<vmem>>
    %dma_wait3A_146 = tpu.memref_squeeze %dma_wait3A_145 : memref<1x16x16x128xf32, #tpu.memory_space<vmem>> -> memref<16x16x128xf32, #tpu.memory_space<vmem>>
    tpu.wait_dma2 semaphore(%arg9 : memref<!tpu.dma_semaphore, #tpu.memory_space<semaphore_mem>>) src(%dma_wait3A_146 : memref<16x16x128xf32, #tpu.memory_space<vmem>>) dst(%dma_wait3A_141 : memref<16x16x128xf32, #tpu.memory_space<hbm>>)
    %dma_start3A_147 = arith.constant 1 : i32
    %dma_start3A_148 = arith.constant 0 : i32
    %dma_start3A_149 = arith.constant 0 : i32
    %dma_start3A_150 = arith.constant 0 : i32
    %dma_start3A_151 = tpu.memref_slice %arg6[%dma_start3A_147, %dma_start3A_148, %dma_start3A_149, %dma_start3A_150] : memref<3x16x16x128xf32, #tpu.memory_space<vmem>> -> memref<1x16x16x128xf32, #tpu.memory_space<vmem>>
    %dma_start3A_152 = tpu.memref_squeeze %dma_start3A_151 : memref<1x16x16x128xf32, #tpu.memory_space<vmem>> -> memref<16x16x128xf32, #tpu.memory_space<vmem>>
    %dma_start3A_153 = arith.constant 64 : i32
    %dma_start3A_154 = tpu.memref_slice %arg5[%dma_start3A_153] : memref<128xi32, #tpu.memory_space<vmem>> -> memref<16xi32, #tpu.memory_space<vmem>>
    %dma_start3A_155 = arith.constant 0 : i32
    %dma_start3A_156 = arith.constant 0 : i32
    %dma_start3A_157 = arith.constant 0 : i32
    %dma_start3A_158 = tpu.memref_slice %arg7[%dma_start3A_155, %dma_start3A_156, %dma_start3A_157] : memref<100x16x128xf32, #tpu.memory_space<vmem_shared>> -> memref<100x16x128xf32, #tpu.memory_space<vmem_shared>>
    tpu.enqueue_indirect_dma source(%dma_start3A_158 : memref<100x16x128xf32, #tpu.memory_space<vmem_shared>>) target(%dma_start3A_152 : memref<16x16x128xf32, #tpu.memory_space<vmem>>) offsets(%dma_start3A_154 : memref<16xi32, #tpu.memory_space<vmem>>) semaphore(%arg8 : memref<!tpu.dma_semaphore, #tpu.memory_space<semaphore_mem>>)
    %dma_wait3A_159 = arith.constant 2 : i32
    %dma_wait3A_160 = arith.constant 0 : i32
    %dma_wait3A_161 = arith.constant 0 : i32
    %dma_wait3A_162 = arith.constant 0 : i32
    %dma_wait3A_163 = tpu.memref_slice %arg6[%dma_wait3A_159, %dma_wait3A_160, %dma_wait3A_161, %dma_wait3A_162] : memref<3x16x16x128xf32, #tpu.memory_space<vmem>> -> memref<1x16x16x128xf32, #tpu.memory_space<vmem>>
    %dma_wait3A_164 = tpu.memref_squeeze %dma_wait3A_163 : memref<1x16x16x128xf32, #tpu.memory_space<vmem>> -> memref<16x16x128xf32, #tpu.memory_space<vmem>>
    %dma_wait3A_165 = arith.constant 32 : i32
    %dma_wait3A_166 = tpu.memref_slice %arg5[%dma_wait3A_165] : memref<128xi32, #tpu.memory_space<vmem>> -> memref<16xi32, #tpu.memory_space<vmem>>
    %dma_wait3A_167 = arith.constant 0 : i32
    %dma_wait3A_168 = arith.constant 0 : i32
    %dma_wait3A_169 = arith.constant 0 : i32
    %dma_wait3A_170 = tpu.memref_slice %arg7[%dma_wait3A_167, %dma_wait3A_168, %dma_wait3A_169] : memref<100x16x128xf32, #tpu.memory_space<vmem_shared>> -> memref<100x16x128xf32, #tpu.memory_space<vmem_shared>>
    tpu.wait_indirect_dma semaphore(%arg8 : memref<!tpu.dma_semaphore, #tpu.memory_space<semaphore_mem>>) src(%dma_wait3A_170 : memref<100x16x128xf32, #tpu.memory_space<vmem_shared>>) dst(%dma_wait3A_164 : memref<16x16x128xf32, #tpu.memory_space<vmem>>)
    %add3A_171 = arith.constant 32 : i32
    %add3A_172 = arith.addi %mul3A_2, %add3A_171 : i32
    %dma_start3A_173 = arith.constant 2 : i32
    %dma_start3A_174 = arith.constant 0 : i32
    %dma_start3A_175 = arith.constant 0 : i32
    %dma_start3A_176 = arith.constant 0 : i32
    %dma_start3A_177 = tpu.memref_slice %arg6[%dma_start3A_173, %dma_start3A_174, %dma_start3A_175, %dma_start3A_176] : memref<3x16x16x128xf32, #tpu.memory_space<vmem>> -> memref<1x16x16x128xf32, #tpu.memory_space<vmem>>
    %dma_start3A_178 = tpu.memref_squeeze %dma_start3A_177 : memref<1x16x16x128xf32, #tpu.memory_space<vmem>> -> memref<16x16x128xf32, #tpu.memory_space<vmem>>
    %dma_start3A_179 = arith.constant 0 : i32
    %dma_start3A_180 = arith.constant 0 : i32
    %dma_start3A_181 = tpu.memref_slice %arg4[%add3A_172, %dma_start3A_179, %dma_start3A_180] : memref<4096x16x128xf32, #tpu.memory_space<hbm>> -> memref<16x16x128xf32, #tpu.memory_space<hbm>>
    %dma_start3A_182 = arith.constant 0 : i32
    %dma_start3A_183 = arith.constant 0 : i32
    %dma_start3A_184 = tpu.memref_slice %arg4[%add3A_172, %dma_start3A_182, %dma_start3A_183] : memref<4096x16x128xf32, #tpu.memory_space<hbm>> -> memref<16x16x128xf32, #tpu.memory_space<hbm>>
    %dma_start3A_185 = arith.constant 0 : i32
    %dma_start3A_186 = arith.constant 0 : i32
    %dma_start3A_187 = arith.constant 0 : i32
    %dma_start3A_188 = tpu.memref_slice %arg6[%dma_start3A_173, %dma_start3A_185, %dma_start3A_186, %dma_start3A_187] : memref<3x16x16x128xf32, #tpu.memory_space<vmem>> -> memref<1x16x16x128xf32, #tpu.memory_space<vmem>>
    %dma_start3A_189 = tpu.memref_squeeze %dma_start3A_188 : memref<1x16x16x128xf32, #tpu.memory_space<vmem>> -> memref<16x16x128xf32, #tpu.memory_space<vmem>>
    tpu.enqueue_dma source(%dma_start3A_189 : memref<16x16x128xf32, #tpu.memory_space<vmem>>) target(%dma_start3A_184 : memref<16x16x128xf32, #tpu.memory_space<hbm>>) target_semaphore(%arg9 : memref<!tpu.dma_semaphore, #tpu.memory_space<semaphore_mem>>)
    %dma_wait3A_190 = arith.constant 2 : i32
    %dma_wait3A_191 = arith.constant 0 : i32
    %dma_wait3A_192 = arith.constant 0 : i32
    %dma_wait3A_193 = arith.constant 0 : i32
    %dma_wait3A_194 = tpu.memref_slice %arg6[%dma_wait3A_190, %dma_wait3A_191, %dma_wait3A_192, %dma_wait3A_193] : memref<3x16x16x128xf32, #tpu.memory_space<vmem>> -> memref<1x16x16x128xf32, #tpu.memory_space<vmem>>
    %dma_wait3A_195 = tpu.memref_squeeze %dma_wait3A_194 : memref<1x16x16x128xf32, #tpu.memory_space<vmem>> -> memref<16x16x128xf32, #tpu.memory_space<vmem>>
    %dma_wait3A_196 = arith.constant 0 : i32
    %dma_wait3A_197 = arith.constant 0 : i32
    %dma_wait3A_198 = tpu.memref_slice %arg4[%add3A_172, %dma_wait3A_196, %dma_wait3A_197] : memref<4096x16x128xf32, #tpu.memory_space<hbm>> -> memref<16x16x128xf32, #tpu.memory_space<hbm>>
    %dma_wait3A_199 = arith.constant 0 : i32
    %dma_wait3A_200 = arith.constant 0 : i32
    %dma_wait3A_201 = tpu.memref_slice %arg4[%add3A_172, %dma_wait3A_199, %dma_wait3A_200] : memref<4096x16x128xf32, #tpu.memory_space<hbm>> -> memref<16x16x128xf32, #tpu.memory_space<hbm>>
    %dma_wait3A_202 = arith.constant 0 : i32
    %dma_wait3A_203 = arith.constant 0 : i32
    %dma_wait3A_204 = arith.constant 0 : i32
    %dma_wait3A_205 = tpu.memref_slice %arg6[%dma_wait3A_190, %dma_wait3A_202, %dma_wait3A_203, %dma_wait3A_204] : memref<3x16x16x128xf32, #tpu.memory_space<vmem>> -> memref<1x16x16x128xf32, #tpu.memory_space<vmem>>
    %dma_wait3A_206 = tpu.memref_squeeze %dma_wait3A_205 : memref<1x16x16x128xf32, #tpu.memory_space<vmem>> -> memref<16x16x128xf32, #tpu.memory_space<vmem>>
    tpu.wait_dma2 semaphore(%arg9 : memref<!tpu.dma_semaphore, #tpu.memory_space<semaphore_mem>>) src(%dma_wait3A_206 : memref<16x16x128xf32, #tpu.memory_space<vmem>>) dst(%dma_wait3A_201 : memref<16x16x128xf32, #tpu.memory_space<hbm>>)
    %dma_start3A_207 = arith.constant 2 : i32
    %dma_start3A_208 = arith.constant 0 : i32
    %dma_start3A_209 = arith.constant 0 : i32
    %dma_start3A_210 = arith.constant 0 : i32
    %dma_start3A_211 = tpu.memref_slice %arg6[%dma_start3A_207, %dma_start3A_208, %dma_start3A_209, %dma_start3A_210] : memref<3x16x16x128xf32, #tpu.memory_space<vmem>> -> memref<1x16x16x128xf32, #tpu.memory_space<vmem>>
    %dma_start3A_212 = tpu.memref_squeeze %dma_start3A_211 : memref<1x16x16x128xf32, #tpu.memory_space<vmem>> -> memref<16x16x128xf32, #tpu.memory_space<vmem>>
    %dma_start3A_213 = arith.constant 80 : i32
    %dma_start3A_214 = tpu.memref_slice %arg5[%dma_start3A_213] : memref<128xi32, #tpu.memory_space<vmem>> -> memref<16xi32, #tpu.memory_space<vmem>>
    %dma_start3A_215 = arith.constant 0 : i32
    %dma_start3A_216 = arith.constant 0 : i32
    %dma_start3A_217 = arith.constant 0 : i32
    %dma_start3A_218 = tpu.memref_slice %arg7[%dma_start3A_215, %dma_start3A_216, %dma_start3A_217] : memref<100x16x128xf32, #tpu.memory_space<vmem_shared>> -> memref<100x16x128xf32, #tpu.memory_space<vmem_shared>>
    tpu.enqueue_indirect_dma source(%dma_start3A_218 : memref<100x16x128xf32, #tpu.memory_space<vmem_shared>>) target(%dma_start3A_212 : memref<16x16x128xf32, #tpu.memory_space<vmem>>) offsets(%dma_start3A_214 : memref<16xi32, #tpu.memory_space<vmem>>) semaphore(%arg8 : memref<!tpu.dma_semaphore, #tpu.memory_space<semaphore_mem>>)
    %dma_wait3A_219 = arith.constant 0 : i32
    %dma_wait3A_220 = arith.constant 0 : i32
    %dma_wait3A_221 = arith.constant 0 : i32
    %dma_wait3A_222 = arith.constant 0 : i32
    %dma_wait3A_223 = tpu.memref_slice %arg6[%dma_wait3A_219, %dma_wait3A_220, %dma_wait3A_221, %dma_wait3A_222] : memref<3x16x16x128xf32, #tpu.memory_space<vmem>> -> memref<1x16x16x128xf32, #tpu.memory_space<vmem>>
    %dma_wait3A_224 = tpu.memref_squeeze %dma_wait3A_223 : memref<1x16x16x128xf32, #tpu.memory_space<vmem>> -> memref<16x16x128xf32, #tpu.memory_space<vmem>>
    %dma_wait3A_225 = arith.constant 48 : i32
    %dma_wait3A_226 = tpu.memref_slice %arg5[%dma_wait3A_225] : memref<128xi32, #tpu.memory_space<vmem>> -> memref<16xi32, #tpu.memory_space<vmem>>
    %dma_wait3A_227 = arith.constant 0 : i32
    %dma_wait3A_228 = arith.constant 0 : i32
    %dma_wait3A_229 = arith.constant 0 : i32
    %dma_wait3A_230 = tpu.memref_slice %arg7[%dma_wait3A_227, %dma_wait3A_228, %dma_wait3A_229] : memref<100x16x128xf32, #tpu.memory_space<vmem_shared>> -> memref<100x16x128xf32, #tpu.memory_space<vmem_shared>>
    tpu.wait_indirect_dma semaphore(%arg8 : memref<!tpu.dma_semaphore, #tpu.memory_space<semaphore_mem>>) src(%dma_wait3A_230 : memref<100x16x128xf32, #tpu.memory_space<vmem_shared>>) dst(%dma_wait3A_224 : memref<16x16x128xf32, #tpu.memory_space<vmem>>)
    %add3A_231 = arith.constant 48 : i32
    %add3A_232 = arith.addi %mul3A_2, %add3A_231 : i32
    %dma_start3A_233 = arith.constant 0 : i32
    %dma_start3A_234 = arith.constant 0 : i32
    %dma_start3A_235 = arith.constant 0 : i32
    %dma_start3A_236 = arith.constant 0 : i32
    %dma_start3A_237 = tpu.memref_slice %arg6[%dma_start3A_233, %dma_start3A_234, %dma_start3A_235, %dma_start3A_236] : memref<3x16x16x128xf32, #tpu.memory_space<vmem>> -> memref<1x16x16x128xf32, #tpu.memory_space<vmem>>
    %dma_start3A_238 = tpu.memref_squeeze %dma_start3A_237 : memref<1x16x16x128xf32, #tpu.memory_space<vmem>> -> memref<16x16x128xf32, #tpu.memory_space<vmem>>
    %dma_start3A_239 = arith.constant 0 : i32
    %dma_start3A_240 = arith.constant 0 : i32
    %dma_start3A_241 = tpu.memref_slice %arg4[%add3A_232, %dma_start3A_239, %dma_start3A_240] : memref<4096x16x128xf32, #tpu.memory_space<hbm>> -> memref<16x16x128xf32, #tpu.memory_space<hbm>>
    %dma_start3A_242 = arith.constant 0 : i32
    %dma_start3A_243 = arith.constant 0 : i32
    %dma_start3A_244 = tpu.memref_slice %arg4[%add3A_232, %dma_start3A_242, %dma_start3A_243] : memref<4096x16x128xf32, #tpu.memory_space<hbm>> -> memref<16x16x128xf32, #tpu.memory_space<hbm>>
    %dma_start3A_245 = arith.constant 0 : i32
    %dma_start3A_246 = arith.constant 0 : i32
    %dma_start3A_247 = arith.constant 0 : i32
    %dma_start3A_248 = tpu.memref_slice %arg6[%dma_start3A_233, %dma_start3A_245, %dma_start3A_246, %dma_start3A_247] : memref<3x16x16x128xf32, #tpu.memory_space<vmem>> -> memref<1x16x16x128xf32, #tpu.memory_space<vmem>>
    %dma_start3A_249 = tpu.memref_squeeze %dma_start3A_248 : memref<1x16x16x128xf32, #tpu.memory_space<vmem>> -> memref<16x16x128xf32, #tpu.memory_space<vmem>>
    tpu.enqueue_dma source(%dma_start3A_249 : memref<16x16x128xf32, #tpu.memory_space<vmem>>) target(%dma_start3A_244 : memref<16x16x128xf32, #tpu.memory_space<hbm>>) target_semaphore(%arg9 : memref<!tpu.dma_semaphore, #tpu.memory_space<semaphore_mem>>)
    %dma_wait3A_250 = arith.constant 0 : i32
    %dma_wait3A_251 = arith.constant 0 : i32
    %dma_wait3A_252 = arith.constant 0 : i32
    %dma_wait3A_253 = arith.constant 0 : i32
    %dma_wait3A_254 = tpu.memref_slice %arg6[%dma_wait3A_250, %dma_wait3A_251, %dma_wait3A_252, %dma_wait3A_253] : memref<3x16x16x128xf32, #tpu.memory_space<vmem>> -> memref<1x16x16x128xf32, #tpu.memory_space<vmem>>
    %dma_wait3A_255 = tpu.memref_squeeze %dma_wait3A_254 : memref<1x16x16x128xf32, #tpu.memory_space<vmem>> -> memref<16x16x128xf32, #tpu.memory_space<vmem>>
    %dma_wait3A_256 = arith.constant 0 : i32
    %dma_wait3A_257 = arith.constant 0 : i32
    %dma_wait3A_258 = tpu.memref_slice %arg4[%add3A_232, %dma_wait3A_256, %dma_wait3A_257] : memref<4096x16x128xf32, #tpu.memory_space<hbm>> -> memref<16x16x128xf32, #tpu.memory_space<hbm>>
    %dma_wait3A_259 = arith.constant 0 : i32
    %dma_wait3A_260 = arith.constant 0 : i32
    %dma_wait3A_261 = tpu.memref_slice %arg4[%add3A_232, %dma_wait3A_259, %dma_wait3A_260] : memref<4096x16x128xf32, #tpu.memory_space<hbm>> -> memref<16x16x128xf32, #tpu.memory_space<hbm>>
    %dma_wait3A_262 = arith.constant 0 : i32
    %dma_wait3A_263 = arith.constant 0 : i32
    %dma_wait3A_264 = arith.constant 0 : i32
    %dma_wait3A_265 = tpu.memref_slice %arg6[%dma_wait3A_250, %dma_wait3A_262, %dma_wait3A_263, %dma_wait3A_264] : memref<3x16x16x128xf32, #tpu.memory_space<vmem>> -> memref<1x16x16x128xf32, #tpu.memory_space<vmem>>
    %dma_wait3A_266 = tpu.memref_squeeze %dma_wait3A_265 : memref<1x16x16x128xf32, #tpu.memory_space<vmem>> -> memref<16x16x128xf32, #tpu.memory_space<vmem>>
    tpu.wait_dma2 semaphore(%arg9 : memref<!tpu.dma_semaphore, #tpu.memory_space<semaphore_mem>>) src(%dma_wait3A_266 : memref<16x16x128xf32, #tpu.memory_space<vmem>>) dst(%dma_wait3A_261 : memref<16x16x128xf32, #tpu.memory_space<hbm>>)
    %dma_start3A_267 = arith.constant 0 : i32
    %dma_start3A_268 = arith.constant 0 : i32
    %dma_start3A_269 = arith.constant 0 : i32
    %dma_start3A_270 = arith.constant 0 : i32
    %dma_start3A_271 = tpu.memref_slice %arg6[%dma_start3A_267, %dma_start3A_268, %dma_start3A_269, %dma_start3A_270] : memref<3x16x16x128xf32, #tpu.memory_space<vmem>> -> memref<1x16x16x128xf32, #tpu.memory_space<vmem>>
    %dma_start3A_272 = tpu.memref_squeeze %dma_start3A_271 : memref<1x16x16x128xf32, #tpu.memory_space<vmem>> -> memref<16x16x128xf32, #tpu.memory_space<vmem>>
    %dma_start3A_273 = arith.constant 96 : i32
    %dma_start3A_274 = tpu.memref_slice %arg5[%dma_start3A_273] : memref<128xi32, #tpu.memory_space<vmem>> -> memref<16xi32, #tpu.memory_space<vmem>>
    %dma_start3A_275 = arith.constant 0 : i32
    %dma_start3A_276 = arith.constant 0 : i32
    %dma_start3A_277 = arith.constant 0 : i32
    %dma_start3A_278 = tpu.memref_slice %arg7[%dma_start3A_275, %dma_start3A_276, %dma_start3A_277] : memref<100x16x128xf32, #tpu.memory_space<vmem_shared>> -> memref<100x16x128xf32, #tpu.memory_space<vmem_shared>>
    tpu.enqueue_indirect_dma source(%dma_start3A_278 : memref<100x16x128xf32, #tpu.memory_space<vmem_shared>>) target(%dma_start3A_272 : memref<16x16x128xf32, #tpu.memory_space<vmem>>) offsets(%dma_start3A_274 : memref<16xi32, #tpu.memory_space<vmem>>) semaphore(%arg8 : memref<!tpu.dma_semaphore, #tpu.memory_space<semaphore_mem>>)
    %dma_wait3A_279 = arith.constant 1 : i32
    %dma_wait3A_280 = arith.constant 0 : i32
    %dma_wait3A_281 = arith.constant 0 : i32
    %dma_wait3A_282 = arith.constant 0 : i32
    %dma_wait3A_283 = tpu.memref_slice %arg6[%dma_wait3A_279, %dma_wait3A_280, %dma_wait3A_281, %dma_wait3A_282] : memref<3x16x16x128xf32, #tpu.memory_space<vmem>> -> memref<1x16x16x128xf32, #tpu.memory_space<vmem>>
    %dma_wait3A_284 = tpu.memref_squeeze %dma_wait3A_283 : memref<1x16x16x128xf32, #tpu.memory_space<vmem>> -> memref<16x16x128xf32, #tpu.memory_space<vmem>>
    %dma_wait3A_285 = arith.constant 64 : i32
    %dma_wait3A_286 = tpu.memref_slice %arg5[%dma_wait3A_285] : memref<128xi32, #tpu.memory_space<vmem>> -> memref<16xi32, #tpu.memory_space<vmem>>
    %dma_wait3A_287 = arith.constant 0 : i32
    %dma_wait3A_288 = arith.constant 0 : i32
    %dma_wait3A_289 = arith.constant 0 : i32
    %dma_wait3A_290 = tpu.memref_slice %arg7[%dma_wait3A_287, %dma_wait3A_288, %dma_wait3A_289] : memref<100x16x128xf32, #tpu.memory_space<vmem_shared>> -> memref<100x16x128xf32, #tpu.memory_space<vmem_shared>>
    tpu.wait_indirect_dma semaphore(%arg8 : memref<!tpu.dma_semaphore, #tpu.memory_space<semaphore_mem>>) src(%dma_wait3A_290 : memref<100x16x128xf32, #tpu.memory_space<vmem_shared>>) dst(%dma_wait3A_284 : memref<16x16x128xf32, #tpu.memory_space<vmem>>)
    %add3A_291 = arith.constant 64 : i32
    %add3A_292 = arith.addi %mul3A_2, %add3A_291 : i32
    %dma_start3A_293 = arith.constant 1 : i32
    %dma_start3A_294 = arith.constant 0 : i32
    %dma_start3A_295 = arith.constant 0 : i32
    %dma_start3A_296 = arith.constant 0 : i32
    %dma_start3A_297 = tpu.memref_slice %arg6[%dma_start3A_293, %dma_start3A_294, %dma_start3A_295, %dma_start3A_296] : memref<3x16x16x128xf32, #tpu.memory_space<vmem>> -> memref<1x16x16x128xf32, #tpu.memory_space<vmem>>
    %dma_start3A_298 = tpu.memref_squeeze %dma_start3A_297 : memref<1x16x16x128xf32, #tpu.memory_space<vmem>> -> memref<16x16x128xf32, #tpu.memory_space<vmem>>
    %dma_start3A_299 = arith.constant 0 : i32
    %dma_start3A_300 = arith.constant 0 : i32
    %dma_start3A_301 = tpu.memref_slice %arg4[%add3A_292, %dma_start3A_299, %dma_start3A_300] : memref<4096x16x128xf32, #tpu.memory_space<hbm>> -> memref<16x16x128xf32, #tpu.memory_space<hbm>>
    %dma_start3A_302 = arith.constant 0 : i32
    %dma_start3A_303 = arith.constant 0 : i32
    %dma_start3A_304 = tpu.memref_slice %arg4[%add3A_292, %dma_start3A_302, %dma_start3A_303] : memref<4096x16x128xf32, #tpu.memory_space<hbm>> -> memref<16x16x128xf32, #tpu.memory_space<hbm>>
    %dma_start3A_305 = arith.constant 0 : i32
    %dma_start3A_306 = arith.constant 0 : i32
    %dma_start3A_307 = arith.constant 0 : i32
    %dma_start3A_308 = tpu.memref_slice %arg6[%dma_start3A_293, %dma_start3A_305, %dma_start3A_306, %dma_start3A_307] : memref<3x16x16x128xf32, #tpu.memory_space<vmem>> -> memref<1x16x16x128xf32, #tpu.memory_space<vmem>>
    %dma_start3A_309 = tpu.memref_squeeze %dma_start3A_308 : memref<1x16x16x128xf32, #tpu.memory_space<vmem>> -> memref<16x16x128xf32, #tpu.memory_space<vmem>>
    tpu.enqueue_dma source(%dma_start3A_309 : memref<16x16x128xf32, #tpu.memory_space<vmem>>) target(%dma_start3A_304 : memref<16x16x128xf32, #tpu.memory_space<hbm>>) target_semaphore(%arg9 : memref<!tpu.dma_semaphore, #tpu.memory_space<semaphore_mem>>)
    %dma_wait3A_310 = arith.constant 1 : i32
    %dma_wait3A_311 = arith.constant 0 : i32
    %dma_wait3A_312 = arith.constant 0 : i32
    %dma_wait3A_313 = arith.constant 0 : i32
    %dma_wait3A_314 = tpu.memref_slice %arg6[%dma_wait3A_310, %dma_wait3A_311, %dma_wait3A_312, %dma_wait3A_313] : memref<3x16x16x128xf32, #tpu.memory_space<vmem>> -> memref<1x16x16x128xf32, #tpu.memory_space<vmem>>
    %dma_wait3A_315 = tpu.memref_squeeze %dma_wait3A_314 : memref<1x16x16x128xf32, #tpu.memory_space<vmem>> -> memref<16x16x128xf32, #tpu.memory_space<vmem>>
    %dma_wait3A_316 = arith.constant 0 : i32
    %dma_wait3A_317 = arith.constant 0 : i32
    %dma_wait3A_318 = tpu.memref_slice %arg4[%add3A_292, %dma_wait3A_316, %dma_wait3A_317] : memref<4096x16x128xf32, #tpu.memory_space<hbm>> -> memref<16x16x128xf32, #tpu.memory_space<hbm>>
    %dma_wait3A_319 = arith.constant 0 : i32
    %dma_wait3A_320 = arith.constant 0 : i32
    %dma_wait3A_321 = tpu.memref_slice %arg4[%add3A_292, %dma_wait3A_319, %dma_wait3A_320] : memref<4096x16x128xf32, #tpu.memory_space<hbm>> -> memref<16x16x128xf32, #tpu.memory_space<hbm>>
    %dma_wait3A_322 = arith.constant 0 : i32
    %dma_wait3A_323 = arith.constant 0 : i32
    %dma_wait3A_324 = arith.constant 0 : i32
    %dma_wait3A_325 = tpu.memref_slice %arg6[%dma_wait3A_310, %dma_wait3A_322, %dma_wait3A_323, %dma_wait3A_324] : memref<3x16x16x128xf32, #tpu.memory_space<vmem>> -> memref<1x16x16x128xf32, #tpu.memory_space<vmem>>
    %dma_wait3A_326 = tpu.memref_squeeze %dma_wait3A_325 : memref<1x16x16x128xf32, #tpu.memory_space<vmem>> -> memref<16x16x128xf32, #tpu.memory_space<vmem>>
    tpu.wait_dma2 semaphore(%arg9 : memref<!tpu.dma_semaphore, #tpu.memory_space<semaphore_mem>>) src(%dma_wait3A_326 : memref<16x16x128xf32, #tpu.memory_space<vmem>>) dst(%dma_wait3A_321 : memref<16x16x128xf32, #tpu.memory_space<hbm>>)
    %dma_start3A_327 = arith.constant 1 : i32
    %dma_start3A_328 = arith.constant 0 : i32
    %dma_start3A_329 = arith.constant 0 : i32
    %dma_start3A_330 = arith.constant 0 : i32
    %dma_start3A_331 = tpu.memref_slice %arg6[%dma_start3A_327, %dma_start3A_328, %dma_start3A_329, %dma_start3A_330] : memref<3x16x16x128xf32, #tpu.memory_space<vmem>> -> memref<1x16x16x128xf32, #tpu.memory_space<vmem>>
    %dma_start3A_332 = tpu.memref_squeeze %dma_start3A_331 : memref<1x16x16x128xf32, #tpu.memory_space<vmem>> -> memref<16x16x128xf32, #tpu.memory_space<vmem>>
    %dma_start3A_333 = arith.constant 112 : i32
    %dma_start3A_334 = tpu.memref_slice %arg5[%dma_start3A_333] : memref<128xi32, #tpu.memory_space<vmem>> -> memref<16xi32, #tpu.memory_space<vmem>>
    %dma_start3A_335 = arith.constant 0 : i32
    %dma_start3A_336 = arith.constant 0 : i32
    %dma_start3A_337 = arith.constant 0 : i32
    %dma_start3A_338 = tpu.memref_slice %arg7[%dma_start3A_335, %dma_start3A_336, %dma_start3A_337] : memref<100x16x128xf32, #tpu.memory_space<vmem_shared>> -> memref<100x16x128xf32, #tpu.memory_space<vmem_shared>>
    tpu.enqueue_indirect_dma source(%dma_start3A_338 : memref<100x16x128xf32, #tpu.memory_space<vmem_shared>>) target(%dma_start3A_332 : memref<16x16x128xf32, #tpu.memory_space<vmem>>) offsets(%dma_start3A_334 : memref<16xi32, #tpu.memory_space<vmem>>) semaphore(%arg8 : memref<!tpu.dma_semaphore, #tpu.memory_space<semaphore_mem>>)
    %dma_wait3A_339 = arith.constant 2 : i32
    %dma_wait3A_340 = arith.constant 0 : i32
    %dma_wait3A_341 = arith.constant 0 : i32
    %dma_wait3A_342 = arith.constant 0 : i32
    %dma_wait3A_343 = tpu.memref_slice %arg6[%dma_wait3A_339, %dma_wait3A_340, %dma_wait3A_341, %dma_wait3A_342] : memref<3x16x16x128xf32, #tpu.memory_space<vmem>> -> memref<1x16x16x128xf32, #tpu.memory_space<vmem>>
    %dma_wait3A_344 = tpu.memref_squeeze %dma_wait3A_343 : memref<1x16x16x128xf32, #tpu.memory_space<vmem>> -> memref<16x16x128xf32, #tpu.memory_space<vmem>>
    %dma_wait3A_345 = arith.constant 80 : i32
    %dma_wait3A_346 = tpu.memref_slice %arg5[%dma_wait3A_345] : memref<128xi32, #tpu.memory_space<vmem>> -> memref<16xi32, #tpu.memory_space<vmem>>
    %dma_wait3A_347 = arith.constant 0 : i32
    %dma_wait3A_348 = arith.constant 0 : i32
    %dma_wait3A_349 = arith.constant 0 : i32
    %dma_wait3A_350 = tpu.memref_slice %arg7[%dma_wait3A_347, %dma_wait3A_348, %dma_wait3A_349] : memref<100x16x128xf32, #tpu.memory_space<vmem_shared>> -> memref<100x16x128xf32, #tpu.memory_space<vmem_shared>>
    tpu.wait_indirect_dma semaphore(%arg8 : memref<!tpu.dma_semaphore, #tpu.memory_space<semaphore_mem>>) src(%dma_wait3A_350 : memref<100x16x128xf32, #tpu.memory_space<vmem_shared>>) dst(%dma_wait3A_344 : memref<16x16x128xf32, #tpu.memory_space<vmem>>)
    %add3A_351 = arith.constant 80 : i32
    %add3A_352 = arith.addi %mul3A_2, %add3A_351 : i32
    %dma_start3A_353 = arith.constant 2 : i32
    %dma_start3A_354 = arith.constant 0 : i32
    %dma_start3A_355 = arith.constant 0 : i32
    %dma_start3A_356 = arith.constant 0 : i32
    %dma_start3A_357 = tpu.memref_slice %arg6[%dma_start3A_353, %dma_start3A_354, %dma_start3A_355, %dma_start3A_356] : memref<3x16x16x128xf32, #tpu.memory_space<vmem>> -> memref<1x16x16x128xf32, #tpu.memory_space<vmem>>
    %dma_start3A_358 = tpu.memref_squeeze %dma_start3A_357 : memref<1x16x16x128xf32, #tpu.memory_space<vmem>> -> memref<16x16x128xf32, #tpu.memory_space<vmem>>
    %dma_start3A_359 = arith.constant 0 : i32
    %dma_start3A_360 = arith.constant 0 : i32
    %dma_start3A_361 = tpu.memref_slice %arg4[%add3A_352, %dma_start3A_359, %dma_start3A_360] : memref<4096x16x128xf32, #tpu.memory_space<hbm>> -> memref<16x16x128xf32, #tpu.memory_space<hbm>>
    %dma_start3A_362 = arith.constant 0 : i32
    %dma_start3A_363 = arith.constant 0 : i32
    %dma_start3A_364 = tpu.memref_slice %arg4[%add3A_352, %dma_start3A_362, %dma_start3A_363] : memref<4096x16x128xf32, #tpu.memory_space<hbm>> -> memref<16x16x128xf32, #tpu.memory_space<hbm>>
    %dma_start3A_365 = arith.constant 0 : i32
    %dma_start3A_366 = arith.constant 0 : i32
    %dma_start3A_367 = arith.constant 0 : i32
    %dma_start3A_368 = tpu.memref_slice %arg6[%dma_start3A_353, %dma_start3A_365, %dma_start3A_366, %dma_start3A_367] : memref<3x16x16x128xf32, #tpu.memory_space<vmem>> -> memref<1x16x16x128xf32, #tpu.memory_space<vmem>>
    %dma_start3A_369 = tpu.memref_squeeze %dma_start3A_368 : memref<1x16x16x128xf32, #tpu.memory_space<vmem>> -> memref<16x16x128xf32, #tpu.memory_space<vmem>>
    tpu.enqueue_dma source(%dma_start3A_369 : memref<16x16x128xf32, #tpu.memory_space<vmem>>) target(%dma_start3A_364 : memref<16x16x128xf32, #tpu.memory_space<hbm>>) target_semaphore(%arg9 : memref<!tpu.dma_semaphore, #tpu.memory_space<semaphore_mem>>)
    %dma_wait3A_370 = arith.constant 0 : i32
    %dma_wait3A_371 = arith.constant 0 : i32
    %dma_wait3A_372 = arith.constant 0 : i32
    %dma_wait3A_373 = arith.constant 0 : i32
    %dma_wait3A_374 = tpu.memref_slice %arg6[%dma_wait3A_370, %dma_wait3A_371, %dma_wait3A_372, %dma_wait3A_373] : memref<3x16x16x128xf32, #tpu.memory_space<vmem>> -> memref<1x16x16x128xf32, #tpu.memory_space<vmem>>
    %dma_wait3A_375 = tpu.memref_squeeze %dma_wait3A_374 : memref<1x16x16x128xf32, #tpu.memory_space<vmem>> -> memref<16x16x128xf32, #tpu.memory_space<vmem>>
    %dma_wait3A_376 = arith.constant 96 : i32
    %dma_wait3A_377 = tpu.memref_slice %arg5[%dma_wait3A_376] : memref<128xi32, #tpu.memory_space<vmem>> -> memref<16xi32, #tpu.memory_space<vmem>>
    %dma_wait3A_378 = arith.constant 0 : i32
    %dma_wait3A_379 = arith.constant 0 : i32
    %dma_wait3A_380 = arith.constant 0 : i32
    %dma_wait3A_381 = tpu.memref_slice %arg7[%dma_wait3A_378, %dma_wait3A_379, %dma_wait3A_380] : memref<100x16x128xf32, #tpu.memory_space<vmem_shared>> -> memref<100x16x128xf32, #tpu.memory_space<vmem_shared>>
    tpu.wait_indirect_dma semaphore(%arg8 : memref<!tpu.dma_semaphore, #tpu.memory_space<semaphore_mem>>) src(%dma_wait3A_381 : memref<100x16x128xf32, #tpu.memory_space<vmem_shared>>) dst(%dma_wait3A_375 : memref<16x16x128xf32, #tpu.memory_space<vmem>>)
    %add3A_382 = arith.constant 96 : i32
    %add3A_383 = arith.addi %mul3A_2, %add3A_382 : i32
    %dma_start3A_384 = arith.constant 0 : i32
    %dma_start3A_385 = arith.constant 0 : i32
    %dma_start3A_386 = arith.constant 0 : i32
    %dma_start3A_387 = arith.constant 0 : i32
    %dma_start3A_388 = tpu.memref_slice %arg6[%dma_start3A_384, %dma_start3A_385, %dma_start3A_386, %dma_start3A_387] : memref<3x16x16x128xf32, #tpu.memory_space<vmem>> -> memref<1x16x16x128xf32, #tpu.memory_space<vmem>>
    %dma_start3A_389 = tpu.memref_squeeze %dma_start3A_388 : memref<1x16x16x128xf32, #tpu.memory_space<vmem>> -> memref<16x16x128xf32, #tpu.memory_space<vmem>>
    %dma_start3A_390 = arith.constant 0 : i32
    %dma_start3A_391 = arith.constant 0 : i32
    %dma_start3A_392 = tpu.memref_slice %arg4[%add3A_383, %dma_start3A_390, %dma_start3A_391] : memref<4096x16x128xf32, #tpu.memory_space<hbm>> -> memref<16x16x128xf32, #tpu.memory_space<hbm>>
    %dma_start3A_393 = arith.constant 0 : i32
    %dma_start3A_394 = arith.constant 0 : i32
    %dma_start3A_395 = tpu.memref_slice %arg4[%add3A_383, %dma_start3A_393, %dma_start3A_394] : memref<4096x16x128xf32, #tpu.memory_space<hbm>> -> memref<16x16x128xf32, #tpu.memory_space<hbm>>
    %dma_start3A_396 = arith.constant 0 : i32
    %dma_start3A_397 = arith.constant 0 : i32
    %dma_start3A_398 = arith.constant 0 : i32
    %dma_start3A_399 = tpu.memref_slice %arg6[%dma_start3A_384, %dma_start3A_396, %dma_start3A_397, %dma_start3A_398] : memref<3x16x16x128xf32, #tpu.memory_space<vmem>> -> memref<1x16x16x128xf32, #tpu.memory_space<vmem>>
    %dma_start3A_400 = tpu.memref_squeeze %dma_start3A_399 : memref<1x16x16x128xf32, #tpu.memory_space<vmem>> -> memref<16x16x128xf32, #tpu.memory_space<vmem>>
    tpu.enqueue_dma source(%dma_start3A_400 : memref<16x16x128xf32, #tpu.memory_space<vmem>>) target(%dma_start3A_395 : memref<16x16x128xf32, #tpu.memory_space<hbm>>) target_semaphore(%arg9 : memref<!tpu.dma_semaphore, #tpu.memory_space<semaphore_mem>>)
    %dma_wait3A_401 = arith.constant 1 : i32
    %dma_wait3A_402 = arith.constant 0 : i32
    %dma_wait3A_403 = arith.constant 0 : i32
    %dma_wait3A_404 = arith.constant 0 : i32
    %dma_wait3A_405 = tpu.memref_slice %arg6[%dma_wait3A_401, %dma_wait3A_402, %dma_wait3A_403, %dma_wait3A_404] : memref<3x16x16x128xf32, #tpu.memory_space<vmem>> -> memref<1x16x16x128xf32, #tpu.memory_space<vmem>>
    %dma_wait3A_406 = tpu.memref_squeeze %dma_wait3A_405 : memref<1x16x16x128xf32, #tpu.memory_space<vmem>> -> memref<16x16x128xf32, #tpu.memory_space<vmem>>
    %dma_wait3A_407 = arith.constant 112 : i32
    %dma_wait3A_408 = tpu.memref_slice %arg5[%dma_wait3A_407] : memref<128xi32, #tpu.memory_space<vmem>> -> memref<16xi32, #tpu.memory_space<vmem>>
    %dma_wait3A_409 = arith.constant 0 : i32
    %dma_wait3A_410 = arith.constant 0 : i32
    %dma_wait3A_411 = arith.constant 0 : i32
    %dma_wait3A_412 = tpu.memref_slice %arg7[%dma_wait3A_409, %dma_wait3A_410, %dma_wait3A_411] : memref<100x16x128xf32, #tpu.memory_space<vmem_shared>> -> memref<100x16x128xf32, #tpu.memory_space<vmem_shared>>
    tpu.wait_indirect_dma semaphore(%arg8 : memref<!tpu.dma_semaphore, #tpu.memory_space<semaphore_mem>>) src(%dma_wait3A_412 : memref<100x16x128xf32, #tpu.memory_space<vmem_shared>>) dst(%dma_wait3A_406 : memref<16x16x128xf32, #tpu.memory_space<vmem>>)
    %add3A_413 = arith.constant 112 : i32
    %add3A_414 = arith.addi %mul3A_2, %add3A_413 : i32
    %dma_start3A_415 = arith.constant 1 : i32
    %dma_start3A_416 = arith.constant 0 : i32
    %dma_start3A_417 = arith.constant 0 : i32
    %dma_start3A_418 = arith.constant 0 : i32
    %dma_start3A_419 = tpu.memref_slice %arg6[%dma_start3A_415, %dma_start3A_416, %dma_start3A_417, %dma_start3A_418] : memref<3x16x16x128xf32, #tpu.memory_space<vmem>> -> memref<1x16x16x128xf32, #tpu.memory_space<vmem>>
    %dma_start3A_420 = tpu.memref_squeeze %dma_start3A_419 : memref<1x16x16x128xf32, #tpu.memory_space<vmem>> -> memref<16x16x128xf32, #tpu.memory_space<vmem>>
    %dma_start3A_421 = arith.constant 0 : i32
    %dma_start3A_422 = arith.constant 0 : i32
    %dma_start3A_423 = tpu.memref_slice %arg4[%add3A_414, %dma_start3A_421, %dma_start3A_422] : memref<4096x16x128xf32, #tpu.memory_space<hbm>> -> memref<16x16x128xf32, #tpu.memory_space<hbm>>
    %dma_start3A_424 = arith.constant 0 : i32
    %dma_start3A_425 = arith.constant 0 : i32
    %dma_start3A_426 = tpu.memref_slice %arg4[%add3A_414, %dma_start3A_424, %dma_start3A_425] : memref<4096x16x128xf32, #tpu.memory_space<hbm>> -> memref<16x16x128xf32, #tpu.memory_space<hbm>>
    %dma_start3A_427 = arith.constant 0 : i32
    %dma_start3A_428 = arith.constant 0 : i32
    %dma_start3A_429 = arith.constant 0 : i32
    %dma_start3A_430 = tpu.memref_slice %arg6[%dma_start3A_415, %dma_start3A_427, %dma_start3A_428, %dma_start3A_429] : memref<3x16x16x128xf32, #tpu.memory_space<vmem>> -> memref<1x16x16x128xf32, #tpu.memory_space<vmem>>
    %dma_start3A_431 = tpu.memref_squeeze %dma_start3A_430 : memref<1x16x16x128xf32, #tpu.memory_space<vmem>> -> memref<16x16x128xf32, #tpu.memory_space<vmem>>
    tpu.enqueue_dma source(%dma_start3A_431 : memref<16x16x128xf32, #tpu.memory_space<vmem>>) target(%dma_start3A_426 : memref<16x16x128xf32, #tpu.memory_space<hbm>>) target_semaphore(%arg9 : memref<!tpu.dma_semaphore, #tpu.memory_space<semaphore_mem>>)
    %dma_wait3A_432 = arith.constant 2 : i32
    %dma_wait3A_433 = arith.constant 0 : i32
    %dma_wait3A_434 = arith.constant 0 : i32
    %dma_wait3A_435 = arith.constant 0 : i32
    %dma_wait3A_436 = tpu.memref_slice %arg6[%dma_wait3A_432, %dma_wait3A_433, %dma_wait3A_434, %dma_wait3A_435] : memref<3x16x16x128xf32, #tpu.memory_space<vmem>> -> memref<1x16x16x128xf32, #tpu.memory_space<vmem>>
    %dma_wait3A_437 = tpu.memref_squeeze %dma_wait3A_436 : memref<1x16x16x128xf32, #tpu.memory_space<vmem>> -> memref<16x16x128xf32, #tpu.memory_space<vmem>>
    %dma_wait3A_438 = arith.constant 0 : i32
    %dma_wait3A_439 = arith.constant 0 : i32
    %dma_wait3A_440 = tpu.memref_slice %arg4[%add3A_352, %dma_wait3A_438, %dma_wait3A_439] : memref<4096x16x128xf32, #tpu.memory_space<hbm>> -> memref<16x16x128xf32, #tpu.memory_space<hbm>>
    %dma_wait3A_441 = arith.constant 0 : i32
    %dma_wait3A_442 = arith.constant 0 : i32
    %dma_wait3A_443 = tpu.memref_slice %arg4[%add3A_352, %dma_wait3A_441, %dma_wait3A_442] : memref<4096x16x128xf32, #tpu.memory_space<hbm>> -> memref<16x16x128xf32, #tpu.memory_space<hbm>>
    %dma_wait3A_444 = arith.constant 0 : i32
    %dma_wait3A_445 = arith.constant 0 : i32
    %dma_wait3A_446 = arith.constant 0 : i32
    %dma_wait3A_447 = tpu.memref_slice %arg6[%dma_wait3A_432, %dma_wait3A_444, %dma_wait3A_445, %dma_wait3A_446] : memref<3x16x16x128xf32, #tpu.memory_space<vmem>> -> memref<1x16x16x128xf32, #tpu.memory_space<vmem>>
    %dma_wait3A_448 = tpu.memref_squeeze %dma_wait3A_447 : memref<1x16x16x128xf32, #tpu.memory_space<vmem>> -> memref<16x16x128xf32, #tpu.memory_space<vmem>>
    tpu.wait_dma2 semaphore(%arg9 : memref<!tpu.dma_semaphore, #tpu.memory_space<semaphore_mem>>) src(%dma_wait3A_448 : memref<16x16x128xf32, #tpu.memory_space<vmem>>) dst(%dma_wait3A_443 : memref<16x16x128xf32, #tpu.memory_space<hbm>>)
    %dma_wait3A_449 = arith.constant 0 : i32
    %dma_wait3A_450 = arith.constant 0 : i32
    %dma_wait3A_451 = arith.constant 0 : i32
    %dma_wait3A_452 = arith.constant 0 : i32
    %dma_wait3A_453 = tpu.memref_slice %arg6[%dma_wait3A_449, %dma_wait3A_450, %dma_wait3A_451, %dma_wait3A_452] : memref<3x16x16x128xf32, #tpu.memory_space<vmem>> -> memref<1x16x16x128xf32, #tpu.memory_space<vmem>>
    %dma_wait3A_454 = tpu.memref_squeeze %dma_wait3A_453 : memref<1x16x16x128xf32, #tpu.memory_space<vmem>> -> memref<16x16x128xf32, #tpu.memory_space<vmem>>
    %dma_wait3A_455 = arith.constant 0 : i32
    %dma_wait3A_456 = arith.constant 0 : i32
    %dma_wait3A_457 = tpu.memref_slice %arg4[%add3A_383, %dma_wait3A_455, %dma_wait3A_456] : memref<4096x16x128xf32, #tpu.memory_space<hbm>> -> memref<16x16x128xf32, #tpu.memory_space<hbm>>
    %dma_wait3A_458 = arith.constant 0 : i32
    %dma_wait3A_459 = arith.constant 0 : i32
    %dma_wait3A_460 = tpu.memref_slice %arg4[%add3A_383, %dma_wait3A_458, %dma_wait3A_459] : memref<4096x16x128xf32, #tpu.memory_space<hbm>> -> memref<16x16x128xf32, #tpu.memory_space<hbm>>
    %dma_wait3A_461 = arith.constant 0 : i32
    %dma_wait3A_462 = arith.constant 0 : i32
    %dma_wait3A_463 = arith.constant 0 : i32
    %dma_wait3A_464 = tpu.memref_slice %arg6[%dma_wait3A_449, %dma_wait3A_461, %dma_wait3A_462, %dma_wait3A_463] : memref<3x16x16x128xf32, #tpu.memory_space<vmem>> -> memref<1x16x16x128xf32, #tpu.memory_space<vmem>>
    %dma_wait3A_465 = tpu.memref_squeeze %dma_wait3A_464 : memref<1x16x16x128xf32, #tpu.memory_space<vmem>> -> memref<16x16x128xf32, #tpu.memory_space<vmem>>
    tpu.wait_dma2 semaphore(%arg9 : memref<!tpu.dma_semaphore, #tpu.memory_space<semaphore_mem>>) src(%dma_wait3A_465 : memref<16x16x128xf32, #tpu.memory_space<vmem>>) dst(%dma_wait3A_460 : memref<16x16x128xf32, #tpu.memory_space<hbm>>)
    %dma_wait3A_466 = arith.constant 1 : i32
    %dma_wait3A_467 = arith.constant 0 : i32
    %dma_wait3A_468 = arith.constant 0 : i32
    %dma_wait3A_469 = arith.constant 0 : i32
    %dma_wait3A_470 = tpu.memref_slice %arg6[%dma_wait3A_466, %dma_wait3A_467, %dma_wait3A_468, %dma_wait3A_469] : memref<3x16x16x128xf32, #tpu.memory_space<vmem>> -> memref<1x16x16x128xf32, #tpu.memory_space<vmem>>
    %dma_wait3A_471 = tpu.memref_squeeze %dma_wait3A_470 : memref<1x16x16x128xf32, #tpu.memory_space<vmem>> -> memref<16x16x128xf32, #tpu.memory_space<vmem>>
    %dma_wait3A_472 = arith.constant 0 : i32
    %dma_wait3A_473 = arith.constant 0 : i32
    %dma_wait3A_474 = tpu.memref_slice %arg4[%add3A_414, %dma_wait3A_472, %dma_wait3A_473] : memref<4096x16x128xf32, #tpu.memory_space<hbm>> -> memref<16x16x128xf32, #tpu.memory_space<hbm>>
    %dma_wait3A_475 = arith.constant 0 : i32
    %dma_wait3A_476 = arith.constant 0 : i32
    %dma_wait3A_477 = tpu.memref_slice %arg4[%add3A_414, %dma_wait3A_475, %dma_wait3A_476] : memref<4096x16x128xf32, #tpu.memory_space<hbm>> -> memref<16x16x128xf32, #tpu.memory_space<hbm>>
    %dma_wait3A_478 = arith.constant 0 : i32
    %dma_wait3A_479 = arith.constant 0 : i32
    %dma_wait3A_480 = arith.constant 0 : i32
    %dma_wait3A_481 = tpu.memref_slice %arg6[%dma_wait3A_466, %dma_wait3A_478, %dma_wait3A_479, %dma_wait3A_480] : memref<3x16x16x128xf32, #tpu.memory_space<vmem>> -> memref<1x16x16x128xf32, #tpu.memory_space<vmem>>
    %dma_wait3A_482 = tpu.memref_squeeze %dma_wait3A_481 : memref<1x16x16x128xf32, #tpu.memory_space<vmem>> -> memref<16x16x128xf32, #tpu.memory_space<vmem>>
    tpu.wait_dma2 semaphore(%arg9 : memref<!tpu.dma_semaphore, #tpu.memory_space<semaphore_mem>>) src(%dma_wait3A_482 : memref<16x16x128xf32, #tpu.memory_space<vmem>>) dst(%dma_wait3A_477 : memref<16x16x128xf32, #tpu.memory_space<hbm>>)
    return
  }
}

</mosaic_0001>

<sc_bundles>
// kernel: kernel.3.cloned.1.call-start
scs
__scs_entry_jumppad:
0x0: {  	(pc) =	sbr.rel $0x88, $3  }
0x1: {  	(tag) =	ssettag $0x0;
	lr =	simm.s32 $0x1  }
0x2: {  	[smem:$0x3F9F] =	sst lr;
	_ =	strace $0xD0000000  }
0x3: {  	_ = 	snop  }
0x4: {  	_ = 	snop  }
0x5: {  	_ = 	snop  }
0x6: {  	_ = 	snop  }
0x7: {  	_ = 	snop  }
__scs_overlays_trampoline_lowered:
0x8: {  	[smem:$0x3FAE] =	sst s0  }
0x9: {  	[smem:$0x3FAF] =	sst s1  }
0xa: {  	[smem:$0x3FB0] =	sst s2  }
0xb: {  	[smem:$0x3FB1] =	sst s3  }
0xc: {  	[smem:$0x3FB2] =	sst s4  }
0xd: {  	[smem:$0x3FB3] =	sst s5  }
0xe: {  	[smem:$0x3FB4] =	sst s6  }
0xf: {  	[smem:$0x3FB5] =	sst s7  }
0x10: {  	[smem:$0x3FB6] =	sst s8  }
0x11: {  	[smem:$0x3FB7] =	sst s9;
	s0 =	simm.s32 @!p0 $0x0  }
0x12: {  	s1 =	sld [smem:$0x3F9D];
	s0 =	simm.s32 @p0 $0x1  }
0x13: {  	[smem:$0x3FB8] =	sst s0;
	s0 =	simm.s32 @!p1 $0x0  }
0x14: {  	s2 =	sld [smem:$0x3F9C];
	s0 =	simm.s32 @p1 $0x1  }
0x15: {  	[smem:$0x3FB9] =	sst s0;
	s0 =	simm.s32 @!p2 $0x0  }
0x16: {  	s3 =	sld [smem:$0x3FDB];
	s0 =	simm.s32 @p2 $0x1  }
0x17: {  	s4 =	simm.s32 $0x1BF5;
	[smem:$0x3FBB] =	sst s0  }
0x18: {  	s0 =	sld [smem:$0x3F9E];
	_ =	swait.ge [sflag:s4], $0x0  }
0x19: {  	s7 =	sld [smem:$0x3F9F]  }
0x1a: {  	s8 =	sadd.s32 $0xFFFFE003, lr  }
0x1b: {  	s9 =	sadd.s32 $0xFFFFFEF7, lr;
	s5 =	simm.s32 $0xFFFFFFFF;
	p2 =	slt.u32 s8, $0xFFFFF086  }
0x1c: {  	p1 =	slt.u32 s9, $0xF7A;
	s5 =	simm.s32 @!p2 $0x0  }
0x1d: {  	s5 =	simm.s32 @p1 $0x1;
	p0 =	seq.s32 s7, s2  }
0x1e: {  	s7 =	smul.u32 @!p0 $0xF7A, s2;
	p2 =	seq.s32 @!p0 s5, $0x0  }
0x1f: {  	s9 =	smul.u32 $0xF7A, s1;
	s8 =	simm.s32 @!p0 $0x1BF5;
	p2 =	por !p2, p0  }
0x20: {  	[sflag:s8] =	ssyncset.s32 @!p0 $0xFFFFF086;
	s6 =	sadd.s32 @!p0 s3, s7;
	s7 =	simm.s32 @!p0 $0x108  }
0x21: {  	s3 =	sadd.s32 s3, s9;
	s6 =	sadd.s32 @!p0 $0x88, s6;
	s7 =	simm.s32 @p2 $0x1082  }
0x22: {  	[simem:s7], [sflag:s8] =	dma.local @!p0 [hbm:s6], $0xF7A  }
0x23: {  	s9 =	sor.u32 $0xD0000000, s2;
	s6 =	simm.s32 $0x108;
	_ =	swait.ge @!p0 [sflag:s8], $0x0  }
0x24: {  	s3 =	sadd.s32 $0x88, s3;
	s6 =	simm.s32 @!p1 $0x1082;
	[sflag:s4] =	ssyncset.s32 $0xFFFFF086  }
0x25: {  	[simem:s6], [sflag:s4] =	dma.local [hbm:s3], $0xF7A  }
0x26: {  	[smem:$0x3F9F] =	sst s1;
	(tag) =	ssettag s2;
	_ =	strace s9  }
0x27: {  	s1 =	sld [smem:$0x3FAF]  }
0x28: {  	s2 =	sld [smem:$0x3FB0]  }
0x29: {  	s4 =	sld [smem:$0x3FB2]  }
0x2a: {  	p0 =	seq.s32 s5, $0x0;
	s5 =	sld [smem:$0x3FB3]  }
0x2b: {  	s6 =	sld [smem:$0x3FB4]  }
0x2c: {  	s7 =	sld [smem:$0x3FB5]  }
0x2d: {  	s3 =	simm.s32 $0x108;
	s8 =	sld [smem:$0x3FB6]  }
0x2e: {  	s3 =	simm.s32 @!p0 $0x1082;
	s9 =	sld [smem:$0x3FB7]  }
0x2f: {  	lr =	sadd.s32 s0, s3;
	s0 =	sld [smem:$0x3FAE]  }
0x30: {  	s3 =	sld [smem:$0x3FB1]  }
0x31: {  	[smem:$0x3FBA] =	sst s10  }
0x32: {  	s10 =	sld [smem:$0x3FB8];
	_ =	sdelay $0x3  }
0x33: {  	p0 =	seq.s32 s10, $0x1;
	s10 =	sld [smem:$0x3FBA];
	_ =	sdelay $0x3  }
0x34: {  	[smem:$0x3FBA] =	sst s10  }
0x35: {  	s10 =	sld [smem:$0x3FB9];
	_ =	sdelay $0x3  }
0x36: {  	p1 =	seq.s32 s10, $0x1;
	s10 =	sld [smem:$0x3FBA];
	_ =	sdelay $0x3  }
0x37: {  	[smem:$0x3FBA] =	sst s10  }
0x38: {  	s10 =	sld [smem:$0x3FBB]  }
0x39: {  	_ = 	snop;
	(pc) =	sbr.ind lr, $3  }
0x3a: {  	_ = 	snop  }
0x3b: {  	_ = 	snop  }
0x3c: {  	p2 =	seq.s32 s10, $0x1;
	s10 =	sld [smem:$0x3FBA]  }
0x3d: {  	_ =	shalt  }
0x3e: {  	_ =	shalt  }
0x3f: {  	_ =	shalt  }
0x40: {  	_ =	shalt  }
0x41: {  	_ =	shalt  }
0x42: {  	_ =	shalt  }
0x43: {  	_ =	shalt  }
0x44: {  	_ =	shalt  }
0x45: {  	_ =	shalt  }
0x46: {  	_ =	shalt  }
0x47: {  	_ =	shalt  }
0x48: {  	_ =	shalt  }
0x49: {  	_ =	shalt  }
0x4a: {  	_ =	shalt  }
0x4b: {  	_ =	shalt  }
0x4c: {  	_ =	shalt  }
0x4d: {  	_ =	shalt  }
0x4e: {  	_ =	shalt  }
0x4f: {  	_ =	shalt  }
0x50: {  	_ =	shalt  }
0x51: {  	_ =	shalt  }
0x52: {  	_ =	shalt  }
0x53: {  	_ =	shalt  }
0x54: {  	_ =	shalt  }
0x55: {  	_ =	shalt  }
0x56: {  	_ =	shalt  }
0x57: {  	_ =	shalt  }
0x58: {  	_ =	shalt  }
0x59: {  	_ =	shalt  }
0x5a: {  	_ =	shalt  }
0x5b: {  	_ =	shalt  }
0x5c: {  	_ =	shalt  }
0x5d: {  	_ =	shalt  }
0x5e: {  	_ =	shalt  }
0x5f: {  	_ =	shalt  }
0x60: {  	_ =	shalt  }
0x61: {  	_ =	shalt  }
0x62: {  	_ =	shalt  }
0x63: {  	_ =	shalt  }
0x64: {  	_ =	shalt  }
0x65: {  	_ =	shalt  }
0x66: {  	_ =	shalt  }
0x67: {  	_ =	shalt  }
0x68: {  	_ =	shalt  }
0x69: {  	_ =	shalt  }
0x6a: {  	_ =	shalt  }
0x6b: {  	_ =	shalt  }
0x6c: {  	_ =	shalt  }
0x6d: {  	_ =	shalt  }
0x6e: {  	_ =	shalt  }
0x6f: {  	_ =	shalt  }
0x70: {  	_ =	shalt  }
0x71: {  	_ =	shalt  }
0x72: {  	_ =	shalt  }
0x73: {  	_ =	shalt  }
0x74: {  	_ =	shalt  }
0x75: {  	_ =	shalt  }
0x76: {  	_ =	shalt  }
0x77: {  	_ =	shalt  }
0x78: {  	_ =	shalt  }
0x79: {  	_ =	shalt  }
0x7a: {  	_ =	shalt  }
0x7b: {  	_ =	shalt  }
0x7c: {  	_ =	shalt  }
0x7d: {  	_ =	shalt  }
0x7e: {  	_ =	shalt  }
0x7f: {  	_ =	shalt  }
0x80: {  	_ =	shalt  }
0x81: {  	_ =	shalt  }
0x82: {  	_ =	shalt  }
0x83: {  	_ =	shalt  }
0x84: {  	_ =	shalt  }
0x85: {  	_ =	shalt  }
0x86: {  	_ =	shalt  }
0x87: {  	_ =	shalt  }
.Lfunc_end0:
.L_simem_size_0:
called_computation_lowered:
.L_overlay_start_0:
0x88: {  	s2 =	sld [smem:$0x3FD9]  }
0x89: {  	s3 =	sld [smem:$0x3FFE];
	_ =	sdelay $0x1  }
0x8a: {  	s1 =	srdreg.scid  }
0x8b: {  	s0 =	sand.u32 $0x1, s1  }
0x8c: {  	s18 =	sshll.u32 s0, $0xA;
	s2 =	sadd.s32 s3, s2  }
0x8d: {  	s2 =	sadd.s32 s2, s18  }
0x8e: {  	[smem:$0x3FC6] =	sst s2  }
0x8f: {  	_ = 	snop  }
0x90: {  	s2 =	sld [smem:$0x3FC9]  }
0x91: {  	s19 =	sld [smem:$0x3FC8]  }
0x92: {  	s4 =	sld [smem:$0x3FD0];
	(tm) =	ssettm $0x1  }
0x93: {  	s5 =	sld [smem:$0x3FFB];
	_ =	sdelay $0x3  }
0x94: {  	_ =	strace s5  }
0x95: {  	s5 =	sld [smem:$0x3FFC];
	_ =	sdelay $0x3  }
0x96: {  	_ =	strace s5  }
0x97: {  	s5 =	sld [smem:$0x3FFD];
	_ =	sdelay $0x3  }
0x98: {  	_ =	strace s5  }
0x99: {  	_ =	strace $0x8FFFFFFF  }
0x9a: {  	s20 =	sld [smem:$0x3FDB];
	_ =	sdelay $0x1  }
0x9b: {  	s6 =	simm.s32 $_scs_section_size  }
0x9c: {  	s7 =	simm.s32 $_size__tile_overlayer_lowered;
	s8 =	simm.s32 $_tile_overlayer_lowered  }
0x9d: {  	s23 =	simm.s32 $0x1BFF;
	s22 =	sshll.u32 s8, $0x1;
	s5 =	sadd.s32 s6, s20  }
0x9e: {  	s9 =	simm.s32 $0x0;
	s21 =	sshll.u32 s7, $0x1;
	s7 =	sadd.s32 s22, s5  }
0x9f: {  	[timem:s9], [sflag:s23] =	dma.local [hbm:s7], s21  }
0xa0: {  	_ =	swait.ge [sflag:s23], s21  }
0xa1: {  	s6 =	ssub.s32 $0x0, s21;
	[sflag:s23] =	ssyncset.done $0x0  }
0xa2: {  	[sflag:s23] =	ssyncadd.s32 s6;
	_ =	sdelay $0x1  }
0xa3: {  	s24 =	simm.s32 $0x1B8B  }
0xa4: {  	_ =	swait.ge [sflag:s24], $0x1  }
0xa5: {  	[sflag:s24] =	ssyncset.done $0x0  }
0xa6: {  	s25 =	simm.s32 $0x1B8E;
	[sflag:s24] =	ssyncadd.s32 $0xFFFFFFFF  }
0xa7: {  	s26 =	simm.s32 $execute0_lowered;
	[smem:$0x3FD2] =	sst s25  }
0xa8: {  	s6 =	sshll.u32 s26, $0x1;
	_ =	strace $0x80000046;
	[dreg:$0x1] =	wrdreg $0xFFFFFFFF  }
0xa9: {  	s28 =	simm.s32 $_size_execute0_lowered;
	s5 =	sadd.s32 s5, s6;
	[dreg:$0x0] =	wrdreg $0x0  }
0xaa: {  	s6 =	sshll.u32 s28, $0x1;
	[dreg:$0x2] =	wrdreg s5  }
0xab: {  	[dreg:$0x3] =	wrdreg s6  }
0xac: {  	[dreg:$0x4] =	wrdreg $0xC0  }
0xad: {  	_ =	task [dreg:s9], $0x5FFFF  }
0xae: {  	[dreg:$0x1] =	wrdreg $0xFFFFFFFF  }
0xaf: {  	[dreg:$0x0] =	wrdreg $0x60  }
0xb0: {  	[dreg:$0x2] =	wrdreg s2  }
0xb1: {  	[dreg:$0x3] =	wrdreg s19  }
0xb2: {  	[dreg:$0x4] =	wrdreg s4  }
0xb3: {  	[dreg:$0x5] =	wrdreg $0x180800  }
0xb4: {  	[dreg:$0x6] =	wrdreg $0x9  }
0xb5: {  	_ =	task.clear_ibuf [dreg:s9], $0x7FFFF;
	_ =	strace $0x90000046  }
0xb6: {  	s29 =	simm.s32 $0x9;
	_ =	strace $0x80000048  }
0xb7: {  	_ =	swait.ge [sflag:s29], $0x1  }
0xb8: {  	[sflag:s29] =	ssyncadd.s32 $0xFFFFFFFF  }
0xb9: {  	_ =	strace $0x90000048  }
0xba: {  	_ =	sfence  }
0xbb: {  	s30 =	sld [smem:$0x0];
	_ =	sdelay $0x2  }
0xbc: {  	s31 =	sshll.u32 s1, $0xD;
	s1 =	sshrl.u32 s1, $0x2  }
0xbd: {  	s3 =	sand.u32 $0x4000, s31;
	s1 =	sadd.s32 s1, s30  }
0xbe: {  	s0 =	sor.u32 s3, s0;
	s1 =	sshll.u32 s1, $0x11  }
0xbf: {  	s0 =	sor.u32 s1, s0  }
0xc0: {  	s0 =	sadd.s32 $0x8F2B, s0  }
0xc1: {  	[sflag:s0] =	ssyncadd.remote.s32 $0x1  }
0xc2: {  	_ =	sfence.sel $0xFFFF  }
0xc3: {  	[dreg:$0x0] =	wrdreg $0xFFFFFFFF;
	(pc) =	sbr.abs _section_cstart, $3  }
0xc4: {  	[dreg:$0x1] =	wrdreg $0xFFFFFFFF  }
0xc5: {  	_ =	task.clear_ibuf [dreg:s9], $0x2FFFF;
	_ =	strace $0x9FFFFFFF  }
0xc6: {  	(tm) =	ssettm $0x7FFFFFFF  }
0xc7: {  	_ =	shalt  }
tec
execute0_lowered:
.L_overlay_start_1:
0x0: {  	(tag) =	ssettag $0x1  }
0x1: {  	s17 =	rddreg [dreg:$0x0]  }
0x2: {  	s3 =	rddreg [dreg:$0x1]  }
0x3: {  	s4 =	rddreg [dreg:$0x2]  }
0x4: {  	s2 =	rddreg [dreg:$0x3]  }
0x5: {  	s1 =	srdreg.scid;
	s0 =	rddreg [dreg:$0x4]  }
0x6: {  	s7 =	stileid.u32;
	s24 =	simm.s32 $0x3;
	s11 =	simm.s32 $0x10  }
0x7: {  	s25 =	simm.s32 $0x20;
	s12 =	simm.s32 $0x10080;
	s23 =	simm.s32 $0x30  }
0x8: {  	s21 =	simm.s32 $0x40;
	s20 =	simm.s32 $0x50;
	s5 =	sand.u32 $0x1, s1  }
0x9: {  	p1 =	por $0x0, $0x0;
	s8 =	sshll.u32 s5, $0x7;
	s5 =	ssub.s32 $0x2, s5  }
0xa: {  	s18 =	simm.s32 $0x60;
	s6 =	sshll.u32 s7, $0x8;
	s29 =	sshrl.u32 s5, $0x1  }
0xb: {  	s1 =	simm.s32 $0x0;
	s6 =	sor.u32 s8, s6;
	s8 =	ssub.s32 s5, s29  }
0xc: {  	p0 =	sne.s32 s7, $0x0;
	s7 =	simm.s32 $0x8080;
	s15 =	smax.u32 s8, $0x1  }
0xd: {  	[smem:$0x7FF] =	sst s1;
	s26 =	sshrl.u32 @!p0 s2, $0x3;
	s30 =	sadd.s32 $0xFFFFFFFF, s15  }
0xe: {  	_ =	strace $0x80000047;
	s9 =	sshll.u32 s6, $0x8;
	p2 =	sne.s32 s30, $0x0  }
.Ltmp0:
0xf: {  	s31 =	sshrl.u32 s6, $0x3;
	s19 =	sadd.s32 s4, s9;
	(pc) =	sbr.rel @!p2 .LBB2_3-.Ltmp0, $4  }
0x10: {  	s22 =	sadd.s32 s3, s31;
	s8 =	simm.s32 $0x80;
	s9 =	simm.s32 $0x1  }
0x11: {  	s4 =	simm.s32 $0x2;
	s16 =	sadd.s32 $0x1000, s19;
	s14 =	sadd.s32 $0x2000, s19  }
0x12: {  	s13 =	sadd.s32 $0x3000, s19;
	s10 =	sadd.s32 $0x4000, s19;
	s6 =	sadd.s32 $0x5000, s19  }
0x13: {  	s5 =	sadd.s32 $0x6000, s19;
	s3 =	sadd.s32 $0x7000, s19;
	s15 =	simm.s32 $0x70  }
0x14: {  	s28 =	simm.s32 @!p0 $0x1C03;
	s29 =	simm.s32 @!p0 $0x3  }
0x15: {  	[spmem:s26], [sflag:s28] =	dma.local @!p0 [hbm:s17], $0x6400  }
0x16: {  	_ =	swait.ge @!p0 [sflag:s29], $0x6400  }
0x17: {  	[sflag:s29] =	ssyncset.done @!p0 $0x0  }
0x18: {  	[sflag:s29] =	ssyncadd.s32 @!p0 $0xFFFF9C00  }
0x19: {  	[tilespmem:s1], [sflag:$0x3] =	stream.linear.gather [hbm4b:s22+s1], $0x80, $0x38;
	[tilespmem:$0x1B280] =	vst v63  }
0x1a: {  	_ =	swait.ge [sflag:s24], $0x80  }
0x1b: {  	[sflag:s24] =	ssyncset.done $0x0  }
0x1c: {  	[sflag:s24] =	ssyncadd.s32 $0xFFFFFF80  }
0x1d: {  	[bflag:$0x0] =	sbarrier.arrive $0xFFFF  }
0x1e: {  	[tilespmem:s8], [sflag:$0x1] =	stream.indirect.gather [spmem:s2], $0x800, s1, s11, $0xb8;
	[tilespmem:$0x1B280] =	vst v63  }
0x1f: {  	_ = 	snop  }
0x20: {  	[tilespmem:s7], [sflag:$0x1] =	stream.indirect.gather [spmem:s2], $0x800, s11, s11, $0xb8;
	[tilespmem:$0x1B280] =	vst v63  }
0x21: {  	_ = 	snop  }
0x22: {  	[tilespmem:s12], [sflag:$0x1] =	stream.indirect.gather [spmem:s2], $0x800, s25, s11, $0xb8;
	[tilespmem:$0x1B280] =	vst v63  }
0x23: {  	_ =	swait.ge [sflag:s9], $0x8000  }
0x24: {  	[sflag:s9] =	ssyncset.done $0x0  }
0x25: {  	[sflag:s9] =	ssyncadd.s32 $0xFFFF8000  }
0x26: {  	[hbm4b:s19+s1] =	stream.linear.scatter [tilespmem:s8], [sflag:$0x2], $0x8000, $0x38;
	[tilespmem:$0x1B280] =	vst v63  }
0x27: {  	_ =	swait.ge [sflag:s4], $0x8000  }
0x28: {  	[sflag:s4] =	ssyncset.done $0x0  }
0x29: {  	[sflag:s4] =	ssyncadd.s32 $0xFFFF8000  }
0x2a: {  	[tilespmem:s8], [sflag:$0x1] =	stream.indirect.gather [spmem:s2], $0x800, s23, s11, $0xb8;
	[tilespmem:$0x1B280] =	vst v63  }
0x2b: {  	_ =	swait.ge [sflag:s9], $0x8000  }
0x2c: {  	[sflag:s9] =	ssyncset.done $0x0  }
0x2d: {  	[sflag:s9] =	ssyncadd.s32 $0xFFFF8000  }
0x2e: {  	[hbm4b:s16+s1] =	stream.linear.scatter [tilespmem:s7], [sflag:$0x2], $0x8000, $0x38;
	[tilespmem:$0x1B280] =	vst v63  }
0x2f: {  	_ =	swait.ge [sflag:s4], $0x8000  }
0x30: {  	[sflag:s4] =	ssyncset.done $0x0  }
0x31: {  	[sflag:s4] =	ssyncadd.s32 $0xFFFF8000  }
0x32: {  	[tilespmem:s7], [sflag:$0x1] =	stream.indirect.gather [spmem:s2], $0x800, s21, s11, $0xb8;
	[tilespmem:$0x1B280] =	vst v63  }
0x33: {  	_ =	swait.ge [sflag:s9], $0x8000  }
0x34: {  	[sflag:s9] =	ssyncset.done $0x0  }
0x35: {  	[sflag:s9] =	ssyncadd.s32 $0xFFFF8000  }
0x36: {  	[hbm4b:s14+s1] =	stream.linear.scatter [tilespmem:s12], [sflag:$0x2], $0x8000, $0x38;
	[tilespmem:$0x1B280] =	vst v63  }
0x37: {  	_ =	swait.ge [sflag:s4], $0x8000  }
0x38: {  	[sflag:s4] =	ssyncset.done $0x0  }
0x39: {  	[sflag:s4] =	ssyncadd.s32 $0xFFFF8000  }
0x3a: {  	[tilespmem:s12], [sflag:$0x1] =	stream.indirect.gather [spmem:s2], $0x800, s20, s11, $0xb8;
	[tilespmem:$0x1B280] =	vst v63  }
0x3b: {  	_ =	swait.ge [sflag:s9], $0x8000  }
0x3c: {  	[sflag:s9] =	ssyncset.done $0x0  }
0x3d: {  	[sflag:s9] =	ssyncadd.s32 $0xFFFF8000  }
0x3e: {  	[hbm4b:s13+s1] =	stream.linear.scatter [tilespmem:s8], [sflag:$0x2], $0x8000, $0x38;
	[tilespmem:$0x1B280] =	vst v63  }
0x3f: {  	_ =	swait.ge [sflag:s4], $0x8000  }
0x40: {  	[sflag:s4] =	ssyncset.done $0x0  }
0x41: {  	[sflag:s4] =	ssyncadd.s32 $0xFFFF8000  }
0x42: {  	[tilespmem:s8], [sflag:$0x1] =	stream.indirect.gather [spmem:s2], $0x800, s18, s11, $0xb8;
	[tilespmem:$0x1B280] =	vst v63  }
0x43: {  	_ =	swait.ge [sflag:s9], $0x8000  }
0x44: {  	[sflag:s9] =	ssyncset.done $0x0  }
0x45: {  	[sflag:s9] =	ssyncadd.s32 $0xFFFF8000  }
0x46: {  	[hbm4b:s10+s1] =	stream.linear.scatter [tilespmem:s7], [sflag:$0x2], $0x8000, $0x38;
	[tilespmem:$0x1B280] =	vst v63  }
0x47: {  	_ =	swait.ge [sflag:s4], $0x8000  }
0x48: {  	[sflag:s4] =	ssyncset.done $0x0  }
0x49: {  	[sflag:s4] =	ssyncadd.s32 $0xFFFF8000  }
0x4a: {  	[tilespmem:s7], [sflag:$0x1] =	stream.indirect.gather [spmem:s2], $0x800, s15, s11, $0xb8;
	[tilespmem:$0x1B280] =	vst v63  }
0x4b: {  	_ =	swait.ge [sflag:s9], $0x8000  }
0x4c: {  	[sflag:s9] =	ssyncset.done $0x0  }
0x4d: {  	[sflag:s9] =	ssyncadd.s32 $0xFFFF8000  }
0x4e: {  	[hbm4b:s6+s1] =	stream.linear.scatter [tilespmem:s12], [sflag:$0x2], $0x8000, $0x38;
	[tilespmem:$0x1B280] =	vst v63  }
0x4f: {  	_ =	swait.ge [sflag:s9], $0x8000  }
0x50: {  	[sflag:s9] =	ssyncset.done $0x0  }
0x51: {  	[sflag:s9] =	ssyncadd.s32 $0xFFFF8000  }
0x52: {  	[hbm4b:s5+s1] =	stream.linear.scatter [tilespmem:s8], [sflag:$0x2], $0x8000, $0x38;
	[tilespmem:$0x1B280] =	vst v63  }
0x53: {  	_ =	swait.ge [sflag:s9], $0x8000  }
0x54: {  	[sflag:s9] =	ssyncset.done $0x0  }
0x55: {  	[sflag:s9] =	ssyncadd.s32 $0xFFFF8000  }
0x56: {  	[hbm4b:s3+s1] =	stream.linear.scatter [tilespmem:s7], [sflag:$0x2], $0x8000, $0x38;
	[tilespmem:$0x1B280] =	vst v63  }
0x57: {  	_ =	swait.ge [sflag:s4], $0x8000  }
0x58: {  	s30 =	sadd.s32 $0xFFFFFFFF, s30;
	[sflag:s4] =	ssyncset.done $0x0  }
0x59: {  	p2 =	sne.s32 s30, $0x0;
	[sflag:s4] =	ssyncadd.s32 $0xFFFF8000  }
.Ltmp1:
0x5a: {  	_ =	swait.ge [sflag:s4], $0x8000;
	(pc) =	sbr.rel @!p2 .LBB2_3-.Ltmp1, $4  }
0x5b: {  	[sflag:s4] =	ssyncset.done $0x0  }
0x5c: {  	[sflag:s4] =	ssyncadd.s32 $0xFFFF8000  }
0x5d: {  	_ =	swait.ge [sflag:s4], $0x8000  }
0x5e: {  	p1 =	por $0x1, $0x1;
	[sflag:s4] =	ssyncset.done $0x0  }
.LBB2_2:
0x5f: {  	[sflag:s4] =	ssyncadd.s32 $0xFFFF8000  }
0x60: {  	[spmem:s26], [sflag:s28] =	dma.local @!p0 [hbm:s17], $0x6400  }
0x61: {  	s30 =	sadd.s32 $0xFFFFFFFF, s30;
	_ =	swait.ge @!p0 [sflag:s29], $0x6400  }
0x62: {  	p2 =	sne.s32 s30, $0x0;
	[sflag:s29] =	ssyncset.done @!p0 $0x0  }
0x63: {  	[sflag:s29] =	ssyncadd.s32 @!p0 $0xFFFF9C00  }
0x64: {  	[tilespmem:s1], [sflag:$0x3] =	stream.linear.gather [hbm4b:s22+s1], $0x80, $0x38;
	[tilespmem:$0x1B280] =	vst v63  }
0x65: {  	_ =	swait.ge [sflag:s24], $0x80  }
0x66: {  	[sflag:s24] =	ssyncset.done $0x0  }
0x67: {  	[sflag:s24] =	ssyncadd.s32 $0xFFFFFF80  }
0x68: {  	[bflag:$0x0] =	sbarrier.arrive $0xFFFF  }
0x69: {  	[tilespmem:s8], [sflag:$0x1] =	stream.indirect.gather [spmem:s2], $0x800, s1, s11, $0xb8;
	[tilespmem:$0x1B280] =	vst v63  }
0x6a: {  	_ = 	snop  }
0x6b: {  	[tilespmem:s7], [sflag:$0x1] =	stream.indirect.gather [spmem:s2], $0x800, s11, s11, $0xb8;
	[tilespmem:$0x1B280] =	vst v63  }
0x6c: {  	_ = 	snop  }
0x6d: {  	[tilespmem:s12], [sflag:$0x1] =	stream.indirect.gather [spmem:s2], $0x800, s25, s11, $0xb8;
	[tilespmem:$0x1B280] =	vst v63  }
0x6e: {  	_ =	swait.ge [sflag:s9], $0x8000  }
0x6f: {  	[sflag:s9] =	ssyncset.done $0x0  }
0x70: {  	[sflag:s9] =	ssyncadd.s32 $0xFFFF8000  }
0x71: {  	[hbm4b:s19+s1] =	stream.linear.scatter [tilespmem:s8], [sflag:$0x2], $0x8000, $0x38;
	[tilespmem:$0x1B280] =	vst v63  }
0x72: {  	_ =	swait.ge [sflag:s4], $0x8000  }
0x73: {  	[sflag:s4] =	ssyncset.done $0x0  }
0x74: {  	[sflag:s4] =	ssyncadd.s32 $0xFFFF8000  }
0x75: {  	[tilespmem:s8], [sflag:$0x1] =	stream.indirect.gather [spmem:s2], $0x800, s23, s11, $0xb8;
	[tilespmem:$0x1B280] =	vst v63  }
0x76: {  	_ =	swait.ge [sflag:s9], $0x8000  }
0x77: {  	[sflag:s9] =	ssyncset.done $0x0  }
0x78: {  	[sflag:s9] =	ssyncadd.s32 $0xFFFF8000  }
0x79: {  	[hbm4b:s16+s1] =	stream.linear.scatter [tilespmem:s7], [sflag:$0x2], $0x8000, $0x38;
	[tilespmem:$0x1B280] =	vst v63  }
0x7a: {  	_ =	swait.ge [sflag:s4], $0x8000  }
0x7b: {  	[sflag:s4] =	ssyncset.done $0x0  }
0x7c: {  	[sflag:s4] =	ssyncadd.s32 $0xFFFF8000  }
0x7d: {  	[tilespmem:s7], [sflag:$0x1] =	stream.indirect.gather [spmem:s2], $0x800, s21, s11, $0xb8;
	[tilespmem:$0x1B280] =	vst v63  }
0x7e: {  	_ =	swait.ge [sflag:s9], $0x8000  }
0x7f: {  	[sflag:s9] =	ssyncset.done $0x0  }
0x80: {  	[sflag:s9] =	ssyncadd.s32 $0xFFFF8000  }
0x81: {  	[hbm4b:s14+s1] =	stream.linear.scatter [tilespmem:s12], [sflag:$0x2], $0x8000, $0x38;
	[tilespmem:$0x1B280] =	vst v63  }
0x82: {  	_ =	swait.ge [sflag:s4], $0x8000  }
0x83: {  	[sflag:s4] =	ssyncset.done $0x0  }
0x84: {  	[sflag:s4] =	ssyncadd.s32 $0xFFFF8000  }
0x85: {  	[tilespmem:s12], [sflag:$0x1] =	stream.indirect.gather [spmem:s2], $0x800, s20, s11, $0xb8;
	[tilespmem:$0x1B280] =	vst v63  }
0x86: {  	_ =	swait.ge [sflag:s9], $0x8000  }
0x87: {  	[sflag:s9] =	ssyncset.done $0x0  }
0x88: {  	[sflag:s9] =	ssyncadd.s32 $0xFFFF8000  }
0x89: {  	[hbm4b:s13+s1] =	stream.linear.scatter [tilespmem:s8], [sflag:$0x2], $0x8000, $0x38;
	[tilespmem:$0x1B280] =	vst v63  }
0x8a: {  	_ =	swait.ge [sflag:s4], $0x8000  }
0x8b: {  	[sflag:s4] =	ssyncset.done $0x0  }
0x8c: {  	[sflag:s4] =	ssyncadd.s32 $0xFFFF8000  }
0x8d: {  	[tilespmem:s8], [sflag:$0x1] =	stream.indirect.gather [spmem:s2], $0x800, s18, s11, $0xb8;
	[tilespmem:$0x1B280] =	vst v63  }
0x8e: {  	_ =	swait.ge [sflag:s9], $0x8000  }
0x8f: {  	[sflag:s9] =	ssyncset.done $0x0  }
0x90: {  	[sflag:s9] =	ssyncadd.s32 $0xFFFF8000  }
0x91: {  	[hbm4b:s10+s1] =	stream.linear.scatter [tilespmem:s7], [sflag:$0x2], $0x8000, $0x38;
	[tilespmem:$0x1B280] =	vst v63  }
0x92: {  	_ =	swait.ge [sflag:s4], $0x8000  }
0x93: {  	[sflag:s4] =	ssyncset.done $0x0  }
0x94: {  	[sflag:s4] =	ssyncadd.s32 $0xFFFF8000  }
0x95: {  	[tilespmem:s7], [sflag:$0x1] =	stream.indirect.gather [spmem:s2], $0x800, s15, s11, $0xb8;
	[tilespmem:$0x1B280] =	vst v63  }
0x96: {  	_ =	swait.ge [sflag:s9], $0x8000  }
0x97: {  	[sflag:s9] =	ssyncset.done $0x0  }
0x98: {  	[sflag:s9] =	ssyncadd.s32 $0xFFFF8000  }
0x99: {  	[hbm4b:s6+s1] =	stream.linear.scatter [tilespmem:s12], [sflag:$0x2], $0x8000, $0x38;
	[tilespmem:$0x1B280] =	vst v63  }
0x9a: {  	_ =	swait.ge [sflag:s9], $0x8000  }
0x9b: {  	[sflag:s9] =	ssyncset.done $0x0  }
0x9c: {  	[sflag:s9] =	ssyncadd.s32 $0xFFFF8000  }
0x9d: {  	[hbm4b:s5+s1] =	stream.linear.scatter [tilespmem:s8], [sflag:$0x2], $0x8000, $0x38;
	[tilespmem:$0x1B280] =	vst v63  }
0x9e: {  	_ =	swait.ge [sflag:s9], $0x8000  }
0x9f: {  	[sflag:s9] =	ssyncset.done $0x0  }
0xa0: {  	[sflag:s9] =	ssyncadd.s32 $0xFFFF8000  }
0xa1: {  	[hbm4b:s3+s1] =	stream.linear.scatter [tilespmem:s7], [sflag:$0x2], $0x8000, $0x38;
	[tilespmem:$0x1B280] =	vst v63  }
0xa2: {  	_ =	swait.ge [sflag:s4], $0x8000  }
0xa3: {  	[sflag:s4] =	ssyncset.done $0x0  }
0xa4: {  	[sflag:s4] =	ssyncadd.s32 $0xFFFF8000  }
.Ltmp2:
0xa5: {  	_ =	swait.ge [sflag:s4], $0x8000;
	(pc) =	sbr.rel @p2 .LBB2_2-.Ltmp2, $4  }
0xa6: {  	[sflag:s4] =	ssyncset.done $0x0  }
0xa7: {  	[sflag:s4] =	ssyncadd.s32 $0xFFFF8000  }
0xa8: {  	_ =	swait.ge [sflag:s4], $0x8000  }
0xa9: {  	[sflag:s4] =	ssyncset.done $0x0  }
.LBB2_3:
0xaa: {  	[sflag:s4] =	ssyncadd.s32 @p1 $0xFFFF8000;
	s28 =	simm.s32 @!p0 $0x1C03  }
0xab: {  	[spmem:s26], [sflag:s28] =	dma.local @!p0 [hbm:s17], $0x6400  }
0xac: {  	s17 =	simm.s32 @!p0 $0x3  }
0xad: {  	_ =	swait.ge @!p0 [sflag:s17], $0x6400  }
0xae: {  	[sflag:s17] =	ssyncset.done @!p0 $0x0  }
0xaf: {  	[sflag:s17] =	ssyncadd.s32 @!p0 $0xFFFF9C00  }
0xb0: {  	[tilespmem:s1], [sflag:$0x3] =	stream.linear.gather [hbm4b:s22+s1], $0x80, $0x38;
	[tilespmem:$0x1B280] =	vst v63  }
0xb1: {  	_ =	swait.ge [sflag:s24], $0x80  }
0xb2: {  	[sflag:s24] =	ssyncset.done $0x0  }
0xb3: {  	[sflag:s24] =	ssyncadd.s32 $0xFFFFFF80  }
0xb4: {  	[bflag:$0x0] =	sbarrier.arrive $0xFFFF  }
0xb5: {  	[tilespmem:s8], [sflag:$0x1] =	stream.indirect.gather [spmem:s2], $0x800, s1, s11, $0xb8;
	[tilespmem:$0x1B280] =	vst v63  }
0xb6: {  	_ = 	snop  }
0xb7: {  	[tilespmem:s7], [sflag:$0x1] =	stream.indirect.gather [spmem:s2], $0x800, s11, s11, $0xb8;
	[tilespmem:$0x1B280] =	vst v63  }
0xb8: {  	_ = 	snop  }
0xb9: {  	[tilespmem:s12], [sflag:$0x1] =	stream.indirect.gather [spmem:s2], $0x800, s25, s11, $0xb8;
	[tilespmem:$0x1B280] =	vst v63  }
0xba: {  	_ =	swait.ge [sflag:s9], $0x8000  }
0xbb: {  	[sflag:s9] =	ssyncset.done $0x0  }
0xbc: {  	[sflag:s9] =	ssyncadd.s32 $0xFFFF8000  }
0xbd: {  	[hbm4b:s19+s1] =	stream.linear.scatter [tilespmem:s8], [sflag:$0x2], $0x8000, $0x38;
	[tilespmem:$0x1B280] =	vst v63  }
0xbe: {  	_ =	swait.ge [sflag:s4], $0x8000  }
0xbf: {  	[sflag:s4] =	ssyncset.done $0x0  }
0xc0: {  	[sflag:s4] =	ssyncadd.s32 $0xFFFF8000  }
0xc1: {  	[tilespmem:s8], [sflag:$0x1] =	stream.indirect.gather [spmem:s2], $0x800, s23, s11, $0xb8;
	[tilespmem:$0x1B280] =	vst v63  }
0xc2: {  	_ =	swait.ge [sflag:s9], $0x8000  }
0xc3: {  	[sflag:s9] =	ssyncset.done $0x0  }
0xc4: {  	[sflag:s9] =	ssyncadd.s32 $0xFFFF8000  }
0xc5: {  	[hbm4b:s16+s1] =	stream.linear.scatter [tilespmem:s7], [sflag:$0x2], $0x8000, $0x38;
	[tilespmem:$0x1B280] =	vst v63  }
0xc6: {  	_ =	swait.ge [sflag:s4], $0x8000  }
0xc7: {  	[sflag:s4] =	ssyncset.done $0x0  }
0xc8: {  	[sflag:s4] =	ssyncadd.s32 $0xFFFF8000  }
0xc9: {  	[tilespmem:s7], [sflag:$0x1] =	stream.indirect.gather [spmem:s2], $0x800, s21, s11, $0xb8;
	[tilespmem:$0x1B280] =	vst v63  }
0xca: {  	_ =	swait.ge [sflag:s9], $0x8000  }
0xcb: {  	[sflag:s9] =	ssyncset.done $0x0  }
0xcc: {  	[sflag:s9] =	ssyncadd.s32 $0xFFFF8000  }
0xcd: {  	[hbm4b:s14+s1] =	stream.linear.scatter [tilespmem:s12], [sflag:$0x2], $0x8000, $0x38;
	[tilespmem:$0x1B280] =	vst v63  }
0xce: {  	_ =	swait.ge [sflag:s4], $0x8000  }
0xcf: {  	[sflag:s4] =	ssyncset.done $0x0  }
0xd0: {  	[sflag:s4] =	ssyncadd.s32 $0xFFFF8000  }
0xd1: {  	[tilespmem:s12], [sflag:$0x1] =	stream.indirect.gather [spmem:s2], $0x800, s20, s11, $0xb8;
	[tilespmem:$0x1B280] =	vst v63  }
0xd2: {  	_ =	swait.ge [sflag:s9], $0x8000  }
0xd3: {  	[sflag:s9] =	ssyncset.done $0x0  }
0xd4: {  	[sflag:s9] =	ssyncadd.s32 $0xFFFF8000  }
0xd5: {  	[hbm4b:s13+s1] =	stream.linear.scatter [tilespmem:s8], [sflag:$0x2], $0x8000, $0x38;
	[tilespmem:$0x1B280] =	vst v63  }
0xd6: {  	_ =	swait.ge [sflag:s4], $0x8000  }
0xd7: {  	[sflag:s4] =	ssyncset.done $0x0  }
0xd8: {  	[sflag:s4] =	ssyncadd.s32 $0xFFFF8000  }
0xd9: {  	[tilespmem:s8], [sflag:$0x1] =	stream.indirect.gather [spmem:s2], $0x800, s18, s11, $0xb8;
	[tilespmem:$0x1B280] =	vst v63  }
0xda: {  	_ =	swait.ge [sflag:s9], $0x8000  }
0xdb: {  	[sflag:s9] =	ssyncset.done $0x0  }
0xdc: {  	[sflag:s9] =	ssyncadd.s32 $0xFFFF8000  }
0xdd: {  	[hbm4b:s10+s1] =	stream.linear.scatter [tilespmem:s7], [sflag:$0x2], $0x8000, $0x38;
	[tilespmem:$0x1B280] =	vst v63  }
0xde: {  	_ =	swait.ge [sflag:s4], $0x8000  }
0xdf: {  	[sflag:s4] =	ssyncset.done $0x0  }
0xe0: {  	[sflag:s4] =	ssyncadd.s32 $0xFFFF8000  }
0xe1: {  	[tilespmem:s7], [sflag:$0x1] =	stream.indirect.gather [spmem:s2], $0x800, s15, s11, $0xb8;
	[tilespmem:$0x1B280] =	vst v63  }
0xe2: {  	_ =	swait.ge [sflag:s9], $0x8000  }
0xe3: {  	[sflag:s9] =	ssyncset.done $0x0  }
0xe4: {  	[sflag:s9] =	ssyncadd.s32 $0xFFFF8000  }
0xe5: {  	[hbm4b:s6+s1] =	stream.linear.scatter [tilespmem:s12], [sflag:$0x2], $0x8000, $0x38;
	[tilespmem:$0x1B280] =	vst v63  }
0xe6: {  	_ =	swait.ge [sflag:s9], $0x8000  }
0xe7: {  	[sflag:s9] =	ssyncset.done $0x0  }
0xe8: {  	[sflag:s9] =	ssyncadd.s32 $0xFFFF8000  }
0xe9: {  	[hbm4b:s5+s1] =	stream.linear.scatter [tilespmem:s8], [sflag:$0x2], $0x8000, $0x38;
	[tilespmem:$0x1B280] =	vst v63  }
0xea: {  	_ =	swait.ge [sflag:s9], $0x8000  }
0xeb: {  	[sflag:s9] =	ssyncset.done $0x0  }
0xec: {  	[sflag:s9] =	ssyncadd.s32 $0xFFFF8000  }
0xed: {  	[hbm4b:s3+s1] =	stream.linear.scatter [tilespmem:s7], [sflag:$0x2], $0x8000, $0x38;
	[tilespmem:$0x1B280] =	vst v63  }
0xee: {  	_ =	swait.ge [sflag:s4], $0x8000  }
0xef: {  	[sflag:s4] =	ssyncset.done $0x0  }
0xf0: {  	[sflag:s4] =	ssyncadd.s32 $0xFFFF8000  }
0xf1: {  	_ =	swait.ge [sflag:s4], $0x8000  }
0xf2: {  	[sflag:s4] =	ssyncset.done $0x0  }
0xf3: {  	[sflag:s4] =	ssyncadd.s32 $0xFFFF8000  }
0xf4: {  	_ =	swait.ge [sflag:s4], $0x8000  }
0xf5: {  	[sflag:s4] =	ssyncset.done $0x0  }
0xf6: {  	[sflag:s4] =	ssyncadd.s32 $0xFFFF8000  }
0xf7: {  	_ =	sfence.sel $0x180000  }
0xf8: {  	[bflag:$0x0] =	sbarrier.arrive $0xFFFF  }
0xf9: {  	_ =	strace $0x90000047  }
0xfa: {  	s0 =	sadd.s32 @!p0 $0x100000, s0;
	[bflag:$0x2] =	sbarrier.arrive $0xFFFF  }
0xfb: {  	[sflag:s0] =	ssyncadd.tile.s32 @!p0 $0x1;
	_ =	shalt  }
.Lfunc_end2:
_tile_overlayer_lowered:
.L_overlay_start_2:
0xfc: {  	(tag) =	ssettag $0x2  }
0xfd: {  	s0 =	rddreg [dreg:$0x0];
	s2 =	stileid.u32  }
0xfe: {  	s1 =	rddreg [dreg:$0x1];
	p0 =	sne.s32 s2, $0x0  }
0xff: {  	s3 =	rddreg [dreg:$0x2];
	[bflag:$0x3] =	sbarrier.arrive $0xFFFF;
	s2 =	simm.s32 @!p0 $0x1C03  }
0x100: {  	[timem:s3], [sflag:s2] =	dma.local @!p0 [hbm:s0], s1  }
0x101: {  	s0 =	simm.s32 @!p0 $0x3  }
0x102: {  	_ =	swait.ge @!p0 [sflag:s0], s1  }
0x103: {  	s1 =	ssub.s32 @!p0 $0x0, s1;
	[sflag:s0] =	ssyncset.done @!p0 $0x0  }
0x104: {  	[sflag:s0] =	ssyncadd.s32 @!p0 s1  }
0x105: {  	[bflag:$0x3] =	sbarrier.arrive $0xFFFF  }
0x106: {  	_ =	shalt  }

</sc_bundles>
